<compile_context>
chip_gen: v7x
topology: tpu7x:2x2x1
jax: 0.10.2.dev20260603
libtpu: 0.0.44.dev20260713+nightly
codegen_flags: <defaults>
</compile_context>

<pallas_src>
import functools

import jax
import jax.numpy as jnp
from jax import lax
from jax.experimental import pallas as pl
from jax.experimental.pallas import tpu as pltpu
from jax.experimental.pallas import tpu_sc as plsc

N = 1026
T = 12
F_IN = 5
H = 64
E = 32832
E_TOT = E + N

NPAD = 1040
WIDTH = 80
NW = 32
KS = 9
EC = KS * 128
EPAD = NW * EC
CA = 1056
APAD = NPAD * CA
A_STRIPE = APAD // 16

_f32 = jnp.float32
_i32 = jnp.int32


def _lstm_proj_body(x_ref, wih_ref, whh_ref, b_ref, gatw_ref, atts_ref,
                    attd_ref, h0_ref, c0_ref, xpaug_ref, asrc_ref, adst_ref,
                    m_ref):
    hx = h0_ref[...]
    cx = c0_ref[...]
    for t in range(T):
        xt = x_ref[t]
        gates = (jnp.dot(xt, wih_ref[...], preferred_element_type=_f32)
                 + jnp.dot(hx, whh_ref[...], preferred_element_type=_f32)
                 + b_ref[...])
        i_g = jax.nn.sigmoid(gates[:, 0:H])
        f_g = jax.nn.sigmoid(gates[:, H:2 * H])
        g_g = jnp.tanh(gates[:, 2 * H:3 * H])
        o_g = jax.nn.sigmoid(gates[:, 3 * H:4 * H])
        cx = f_g * cx + i_g * g_g
        hx = o_g * jnp.tanh(cx)
    xp = jnp.dot(hx, gatw_ref[...], preferred_element_type=_f32)
    a_s = jnp.dot(xp, atts_ref[...], preferred_element_type=_f32)
    a_d = jnp.dot(xp, attd_ref[...], preferred_element_type=_f32)
    mm = a_s + a_d
    mm = jnp.where(mm >= 0, mm, 0.2 * mm)
    xpaug_ref[:, 0:H] = xp
    xpaug_ref[:, H:H + 1] = jnp.ones((NPAD, 1), _f32)
    xpaug_ref[:, H + 1:WIDTH] = jnp.zeros((NPAD, WIDTH - H - 1), _f32)
    asrc_ref[...] = a_s
    adst_ref[...] = a_d
    m_ref[...] = mm


def _lstm_proj(x_pad, wihT, whhT, b, gatwT, atts, attd, h0p, c0p):
    return pl.pallas_call(
        _lstm_proj_body,
        out_shape=(
            jax.ShapeDtypeStruct((NPAD, WIDTH), _f32),
            jax.ShapeDtypeStruct((NPAD, 1), _f32),
            jax.ShapeDtypeStruct((NPAD, 1), _f32),
            jax.ShapeDtypeStruct((NPAD, 1), _f32),
        ),
    )(x_pad, wihT, whhT, b, gatwT, atts, attd, h0p, c0p)


def _sc_body(src3_hbm, dst3_hbm, ones_hbm, zeros_hbm, out_hbm,
             src3_v, dst3_v, fidx_v, ones_v, acc_sh, ssem):
    c = lax.axis_index("c")
    s = lax.axis_index("s")
    w = c * 16 + s
    base = w * EC

    pltpu.sync_copy(src3_hbm.at[w], src3_v)
    pltpu.sync_copy(dst3_hbm.at[w], dst3_v)
    pltpu.sync_copy(ones_hbm, ones_v)
    pltpu.sync_copy(zeros_hbm.at[pl.ds(s * A_STRIPE, A_STRIPE)],
                    acc_sh.at[pl.ds(s * A_STRIPE, A_STRIPE)])

    def idx_body(i, carry):
        j = i // 8
        off = (i % 8) * 16
        sidx = src3_v[j, pl.ds(off, 16)]
        didx = dst3_v[j, pl.ds(off, 16)]
        eid = base + i * 16 + lax.iota(_i32, 16)
        fidx = jnp.where(eid < E_TOT, didx * CA + sidx, N * CA)
        fidx_v[j, pl.ds(off, 16)] = fidx
        return carry

    lax.fori_loop(0, EC // 16, idx_body, 0)

    plsc.subcore_barrier()

    for j in range(KS):
        pltpu.async_copy(ones_v.at[pl.ds(j * 128, 128)],
                         acc_sh.at[fidx_v.at[j]], ssem, add=True)
    for j in range(KS):
        pltpu.make_async_copy(ones_v.at[pl.ds(j * 128, 128)],
                              acc_sh.at[fidx_v.at[j]], ssem).wait()

    plsc.subcore_barrier()

    pltpu.sync_copy(acc_sh.at[pl.ds(s * A_STRIPE, A_STRIPE)],
                    out_hbm.at[c, pl.ds(s * A_STRIPE, A_STRIPE)])


def _sc_edge_pass(src3, dst3, ones, zeros):
    mesh = plsc.VectorSubcoreMesh(core_axis_name="c", subcore_axis_name="s")
    kern = functools.partial(
        pl.kernel,
        out_type=jax.ShapeDtypeStruct((2, APAD), _f32),
        mesh=mesh,
        scratch_types=[
            pltpu.VMEM((KS, 128), _i32),
            pltpu.VMEM((KS, 128), _i32),
            pltpu.VMEM((KS, 128), _i32),
            pltpu.VMEM((EC,), _f32),
            pltpu.VMEM_SHARED((APAD,), _f32),
            pltpu.SemaphoreType.DMA,
        ],
        compiler_params=pltpu.CompilerParams(needs_layout_passes=False,
                                             use_tc_tiling_on_sc=False),
    )(_sc_body)
    return kern(src3, dst3, ones, zeros)


def _final_body(c_ref, asrc_ref, adst_ref, m_ref, xpaug_ref, gatb_ref,
                fcw_ref, fcb_ref, out_ref):
    c2 = c_ref[0, 0:N, 0:N] + c_ref[1, 0:N, 0:N]
    e = asrc_ref[0:1, 0:N] + adst_ref[0:N]
    e = jnp.where(e >= 0, e, 0.2 * e)
    wgt = c2 * jnp.exp(e - m_ref[0:N])
    xpa = xpaug_ref[0:N, :]
    acc = jnp.dot(wgt, xpa, preferred_element_type=_f32,
                  precision=lax.Precision.HIGHEST)
    numer = acc[:, 0:H]
    den = acc[:, H:H + 1]
    og = numer / (den + 1e-16) + gatb_ref[...]
    pred = jnp.dot(og, fcw_ref[...], preferred_element_type=_f32) + fcb_ref[...]
    out_ref[...] = jnp.where(pred >= 0, pred, 0.01 * pred)


def _finalize(cmat, asrc_row, adst_col, m_col, xpaug, gatb, fcw, fcb):
    return pl.pallas_call(
        _final_body,
        out_shape=jax.ShapeDtypeStruct((N, 1), _f32),
    )(cmat, asrc_row, adst_col, m_col, xpaug, gatb, fcw, fcb)


def kernel(x, edge_index, edge_attr, W_ih, W_hh, b_ih, b_hh, gat_W, att_src,
           att_dst, gat_b, fc_W, fc_b, h0, c0):
    del edge_attr
    x_pad = jnp.zeros((T, NPAD, 8), _f32)
    x_pad = x_pad.at[:, :N, :F_IN].set(jnp.transpose(x, (1, 0, 2)))
    wihT = jnp.zeros((8, 4 * H), _f32).at[:F_IN, :].set(W_ih.T)
    whhT = W_hh.T
    b = (b_ih + b_hh).reshape(1, 4 * H)
    gatwT = gat_W.T
    atts = att_src.reshape(H, 1)
    attd = att_dst.reshape(H, 1)
    h0p = jnp.zeros((NPAD, H), _f32).at[:N].set(h0)
    c0p = jnp.zeros((NPAD, H), _f32).at[:N].set(c0)

    loops = jnp.arange(N, dtype=_i32)
    pad = jnp.zeros((EPAD - E_TOT,), _i32)
    src = jnp.concatenate([edge_index[0], loops, pad])
    dst = jnp.concatenate([edge_index[1], loops, pad])
    src3 = src.reshape(NW, KS, 128)
    dst3 = dst.reshape(NW, KS, 128)
    ones = jnp.ones((EC,), _f32)
    zeros = jnp.zeros((APAD,), _f32)

    acc = _sc_edge_pass(src3, dst3, ones, zeros)
    cmat = acc.reshape(2, NPAD, CA)

    xpaug, asrc, adst, m = _lstm_proj(x_pad, wihT, whhT, b, gatwT, atts,
                                      attd, h0p, c0p)
    asrc_row = asrc.reshape(1, NPAD)

    outp = _finalize(cmat, asrc_row, adst, m, xpaug, gat_b.reshape(1, H),
                     fc_W.T, fc_b.reshape(1, 1))
    return outp

# --- scband reference (transcript-rebuilt; emitter-appended) ---
"""Pipeline reference for scband-gatnet-27195732918377 (READ-ONLY COPY).

The authoritative reference and input builder live on the scoring server;
editing this copy changes nothing except your own understanding.
"""

import jax, jax.numpy as jnp
import numpy as np

N, T, F_IN, H, E = 1026, 12, 5, 64, 32832

def setup_inputs(seed: int = 0):
    key = jax.random.key(seed)
    ks = jax.random.split(key, 12)
    x = jax.random.normal(ks[0], (N, T, F_IN), dtype=jnp.float32)
    edge_index = jax.random.randint(ks[1], (2, E), 0, N, dtype=jnp.int32)
    edge_attr = jax.random.normal(ks[2], (E, 4), dtype=jnp.float32)
    W_ih = jax.random.normal(ks[3], (4 * H, F_IN), dtype=jnp.float32) * 0.1
    W_hh = jax.random.normal(ks[4], (4 * H, H), dtype=jnp.float32) * 0.05
    b_ih = jnp.zeros((4 * H,), dtype=jnp.float32)
    b_hh = jnp.zeros((4 * H,), dtype=jnp.float32)
    gat_W = jax.random.normal(ks[5], (H, H), dtype=jnp.float32) * 0.1
    att_src = jax.random.normal(ks[6], (H,), dtype=jnp.float32) * 0.1
    att_dst = jax.random.normal(ks[7], (H,), dtype=jnp.float32) * 0.1
    gat_b = jnp.zeros((H,), dtype=jnp.float32)
    fc_W = jax.random.normal(ks[8], (1, H), dtype=jnp.float32) * 0.1
    fc_b = jnp.zeros((1,), dtype=jnp.float32)
    h0 = jnp.zeros((N, H), dtype=jnp.float32)
    c0 = jnp.zeros((N, H), dtype=jnp.float32)
    return {"x": x, "edge_index": edge_index, "edge_attr": edge_attr, "W_ih": W_ih, "W_hh": W_hh, "b_ih": b_ih, "b_hh": b_hh, "gat_W": gat_W, "att_src": att_src, "att_dst": att_dst, "gat_b": gat_b, "fc_W": fc_W, "fc_b": fc_b, "h0": h0, "c0": c0}

def reference(x, edge_index, edge_attr, W_ih, W_hh, b_ih, b_hh, gat_W, att_src, att_dst, gat_b, fc_W, fc_b, h0, c0):
    hx, cx = h0, c0
    for t in range(T):
        xt = x[:, t, :]
        gates = xt @ W_ih.T + b_ih + hx @ W_hh.T + b_hh
        i_g, f_g, g_g, o_g = jnp.split(gates, 4, axis=1)
        i_g = jax.nn.sigmoid(i_g)
        f_g = jax.nn.sigmoid(f_g)
        g_g = jnp.tanh(g_g)
        o_g = jax.nn.sigmoid(o_g)
        cx = f_g * cx + i_g * g_g
        hx = o_g * jnp.tanh(cx)
    # GATConv (heads=1, add_self_loops=True)
    loops = jnp.arange(N, dtype=edge_index.dtype)
    src = jnp.concatenate([edge_index[0], loops])
    dst = jnp.concatenate([edge_index[1], loops])
    xp = hx @ gat_W.T
    a_src = xp @ att_src
    a_dst = xp @ att_dst
    e = jax.nn.leaky_relu(a_src[src] + a_dst[dst], negative_slope=0.2)
    e_max = jax.ops.segment_max(e, dst, num_segments=N)
    e_exp = jnp.exp(e - e_max[dst])
    denom = jax.ops.segment_sum(e_exp, dst, num_segments=N)
    alpha = e_exp / (denom[dst] + 1e-16)
    out = jax.ops.segment_sum(alpha[:, None] * xp[src], dst, num_segments=N) + gat_b
    pred = out @ fc_W.T + fc_b
    return jax.nn.leaky_relu(pred, negative_slope=0.01)

if __name__ == "__main__":
    import jax
    _d = setup_inputs()
    print(jax.jit(kernel)(*tuple(_d.values())))

</pallas_src>

<mosaic_0001>
#map = affine_map<(d0, d1) -> (0, 0, 0)>
#map1 = affine_map<(d0, d1) -> (0)>
#map2 = affine_map<(d0, d1) -> (0, 0)>
module attributes {stable_mosaic.version = 14 : i64} {
  func.func @_sc_body(%arg0: i32, %arg1: i32, %arg2: memref<32x9x128xi32, #tpu.memory_space<hbm>>, %arg3: memref<32x9x128xi32, #tpu.memory_space<hbm>>, %arg4: memref<1152xf32, #tpu.memory_space<hbm>>, %arg5: memref<1098240xf32, #tpu.memory_space<hbm>>, %arg6: memref<2x1098240xf32, #tpu.memory_space<hbm>>, %arg7: memref<9x128xi32, #tpu.memory_space<vmem>>, %arg8: memref<9x128xi32, #tpu.memory_space<vmem>>, %arg9: memref<9x128xi32, #tpu.memory_space<vmem>>, %arg10: memref<1152xf32, #tpu.memory_space<vmem>>, %arg11: memref<1098240xf32, #tpu.memory_space<vmem_shared>>, %arg12: memref<!tpu.dma_semaphore, #tpu.memory_space<semaphore_mem>>) attributes {dimension_semantics = [#tpu.dimension_semantics<core_parallel>, #tpu.dimension_semantics<subcore_parallel>], iteration_bounds = array<i64: 2, 16>, scalar_prefetch = 0 : i64, scratch_operands = 6 : i64, tpu.core_type = #tpu.core_type<sc_vector_subcore>, window_params = [{transform_indices = #map}, {transform_indices = #map}, {transform_indices = #map1}, {transform_indices = #map1}, {transform_indices = #map2}]} {
    %mul3A = arith.constant 16 : i32
    %mul3A_0 = arith.muli %arg0, %mul3A : i32
    %add3A = arith.addi %mul3A_0, %arg1 : i32
    %mul3A_1 = arith.constant 1152 : i32
    %mul3A_2 = arith.muli %add3A, %mul3A_1 : i32
    "tpu.region"() ({
      %run_scoped3A = tpu.sem_alloc : memref<!tpu.dma_semaphore, #tpu.memory_space<semaphore_mem>>
      %dma_start3A_159 = arith.constant 0 : i32
      %dma_start3A_160 = arith.constant 0 : i32
      %dma_start3A_161 = tpu.memref_slice %arg2[%add3A, %dma_start3A_159, %dma_start3A_160] : memref<32x9x128xi32, #tpu.memory_space<hbm>> -> memref<1x9x128xi32, #tpu.memory_space<hbm>>
      %dma_start3A_162 = tpu.memref_squeeze %dma_start3A_161 : memref<1x9x128xi32, #tpu.memory_space<hbm>> -> memref<9x128xi32, #tpu.memory_space<hbm>>
      %dma_start3A_163 = arith.constant 0 : i32
      %dma_start3A_164 = arith.constant 0 : i32
      %dma_start3A_165 = tpu.memref_slice %arg2[%add3A, %dma_start3A_163, %dma_start3A_164] : memref<32x9x128xi32, #tpu.memory_space<hbm>> -> memref<1x9x128xi32, #tpu.memory_space<hbm>>
      %dma_start3A_166 = tpu.memref_squeeze %dma_start3A_165 : memref<1x9x128xi32, #tpu.memory_space<hbm>> -> memref<9x128xi32, #tpu.memory_space<hbm>>
      tpu.enqueue_dma source(%dma_start3A_166 : memref<9x128xi32, #tpu.memory_space<hbm>>) target(%arg7 : memref<9x128xi32, #tpu.memory_space<vmem>>) target_semaphore(%run_scoped3A : memref<!tpu.dma_semaphore, #tpu.memory_space<semaphore_mem>>)
      %dma_wait3A_167 = arith.constant 0 : i32
      %dma_wait3A_168 = arith.constant 0 : i32
      %dma_wait3A_169 = tpu.memref_slice %arg2[%add3A, %dma_wait3A_167, %dma_wait3A_168] : memref<32x9x128xi32, #tpu.memory_space<hbm>> -> memref<1x9x128xi32, #tpu.memory_space<hbm>>
      %dma_wait3A_170 = tpu.memref_squeeze %dma_wait3A_169 : memref<1x9x128xi32, #tpu.memory_space<hbm>> -> memref<9x128xi32, #tpu.memory_space<hbm>>
      %dma_wait3A_171 = arith.constant 0 : i32
      %dma_wait3A_172 = arith.constant 0 : i32
      %dma_wait3A_173 = tpu.memref_slice %arg2[%add3A, %dma_wait3A_171, %dma_wait3A_172] : memref<32x9x128xi32, #tpu.memory_space<hbm>> -> memref<1x9x128xi32, #tpu.memory_space<hbm>>
      %dma_wait3A_174 = tpu.memref_squeeze %dma_wait3A_173 : memref<1x9x128xi32, #tpu.memory_space<hbm>> -> memref<9x128xi32, #tpu.memory_space<hbm>>
      tpu.wait_dma2 semaphore(%run_scoped3A : memref<!tpu.dma_semaphore, #tpu.memory_space<semaphore_mem>>) src(%dma_wait3A_174 : memref<9x128xi32, #tpu.memory_space<hbm>>) dst(%arg7 : memref<9x128xi32, #tpu.memory_space<vmem>>)
      tpu.yield
    }) : () -> ()
    "tpu.region"() ({
      %run_scoped3A = tpu.sem_alloc : memref<!tpu.dma_semaphore, #tpu.memory_space<semaphore_mem>>
      %dma_start3A_159 = arith.constant 0 : i32
      %dma_start3A_160 = arith.constant 0 : i32
      %dma_start3A_161 = tpu.memref_slice %arg3[%add3A, %dma_start3A_159, %dma_start3A_160] : memref<32x9x128xi32, #tpu.memory_space<hbm>> -> memref<1x9x128xi32, #tpu.memory_space<hbm>>
      %dma_start3A_162 = tpu.memref_squeeze %dma_start3A_161 : memref<1x9x128xi32, #tpu.memory_space<hbm>> -> memref<9x128xi32, #tpu.memory_space<hbm>>
      %dma_start3A_163 = arith.constant 0 : i32
      %dma_start3A_164 = arith.constant 0 : i32
      %dma_start3A_165 = tpu.memref_slice %arg3[%add3A, %dma_start3A_163, %dma_start3A_164] : memref<32x9x128xi32, #tpu.memory_space<hbm>> -> memref<1x9x128xi32, #tpu.memory_space<hbm>>
      %dma_start3A_166 = tpu.memref_squeeze %dma_start3A_165 : memref<1x9x128xi32, #tpu.memory_space<hbm>> -> memref<9x128xi32, #tpu.memory_space<hbm>>
      tpu.enqueue_dma source(%dma_start3A_166 : memref<9x128xi32, #tpu.memory_space<hbm>>) target(%arg8 : memref<9x128xi32, #tpu.memory_space<vmem>>) target_semaphore(%run_scoped3A : memref<!tpu.dma_semaphore, #tpu.memory_space<semaphore_mem>>)
      %dma_wait3A_167 = arith.constant 0 : i32
      %dma_wait3A_168 = arith.constant 0 : i32
      %dma_wait3A_169 = tpu.memref_slice %arg3[%add3A, %dma_wait3A_167, %dma_wait3A_168] : memref<32x9x128xi32, #tpu.memory_space<hbm>> -> memref<1x9x128xi32, #tpu.memory_space<hbm>>
      %dma_wait3A_170 = tpu.memref_squeeze %dma_wait3A_169 : memref<1x9x128xi32, #tpu.memory_space<hbm>> -> memref<9x128xi32, #tpu.memory_space<hbm>>
      %dma_wait3A_171 = arith.constant 0 : i32
      %dma_wait3A_172 = arith.constant 0 : i32
      %dma_wait3A_173 = tpu.memref_slice %arg3[%add3A, %dma_wait3A_171, %dma_wait3A_172] : memref<32x9x128xi32, #tpu.memory_space<hbm>> -> memref<1x9x128xi32, #tpu.memory_space<hbm>>
      %dma_wait3A_174 = tpu.memref_squeeze %dma_wait3A_173 : memref<1x9x128xi32, #tpu.memory_space<hbm>> -> memref<9x128xi32, #tpu.memory_space<hbm>>
      tpu.wait_dma2 semaphore(%run_scoped3A : memref<!tpu.dma_semaphore, #tpu.memory_space<semaphore_mem>>) src(%dma_wait3A_174 : memref<9x128xi32, #tpu.memory_space<hbm>>) dst(%arg8 : memref<9x128xi32, #tpu.memory_space<vmem>>)
      tpu.yield
    }) : () -> ()
    "tpu.region"() ({
      %run_scoped3A = tpu.sem_alloc : memref<!tpu.dma_semaphore, #tpu.memory_space<semaphore_mem>>
      tpu.enqueue_dma source(%arg4 : memref<1152xf32, #tpu.memory_space<hbm>>) target(%arg10 : memref<1152xf32, #tpu.memory_space<vmem>>) target_semaphore(%run_scoped3A : memref<!tpu.dma_semaphore, #tpu.memory_space<semaphore_mem>>)
      tpu.wait_dma2 semaphore(%run_scoped3A : memref<!tpu.dma_semaphore, #tpu.memory_space<semaphore_mem>>) src(%arg4 : memref<1152xf32, #tpu.memory_space<hbm>>) dst(%arg10 : memref<1152xf32, #tpu.memory_space<vmem>>)
      tpu.yield
    }) : () -> ()
    %mul3A_3 = arith.constant 68640 : i32
    %mul3A_4 = arith.muli %arg1, %mul3A_3 : i32
    %mul3A_5 = arith.constant 68640 : i32
    %mul3A_6 = arith.muli %arg1, %mul3A_5 : i32
    "tpu.region"() ({
      %run_scoped3A = tpu.sem_alloc : memref<!tpu.dma_semaphore, #tpu.memory_space<semaphore_mem>>
      %dma_start3A_159 = tpu.memref_slice %arg11[%mul3A_6] : memref<1098240xf32, #tpu.memory_space<vmem_shared>> -> memref<68640xf32, #tpu.memory_space<vmem_shared>>
      %dma_start3A_160 = tpu.memref_slice %arg5[%mul3A_4] : memref<1098240xf32, #tpu.memory_space<hbm>> -> memref<68640xf32, #tpu.memory_space<hbm>>
      tpu.enqueue_dma source(%dma_start3A_160 : memref<68640xf32, #tpu.memory_space<hbm>>) target(%dma_start3A_159 : memref<68640xf32, #tpu.memory_space<vmem_shared>>) target_semaphore(%run_scoped3A : memref<!tpu.dma_semaphore, #tpu.memory_space<semaphore_mem>>)
      %dma_wait3A_161 = tpu.memref_slice %arg11[%mul3A_6] : memref<1098240xf32, #tpu.memory_space<vmem_shared>> -> memref<68640xf32, #tpu.memory_space<vmem_shared>>
      %dma_wait3A_162 = tpu.memref_slice %arg5[%mul3A_4] : memref<1098240xf32, #tpu.memory_space<hbm>> -> memref<68640xf32, #tpu.memory_space<hbm>>
      tpu.wait_dma2 semaphore(%run_scoped3A : memref<!tpu.dma_semaphore, #tpu.memory_space<semaphore_mem>>) src(%dma_wait3A_162 : memref<68640xf32, #tpu.memory_space<hbm>>) dst(%dma_wait3A_161 : memref<68640xf32, #tpu.memory_space<vmem_shared>>)
      tpu.yield
    }) : () -> ()
    %scan3A = arith.constant 0 : i32
    %scan3A_7 = arith.constant 0 : i32
    %scan3A_8 = arith.constant 72 : i32
    %scan3A_9 = arith.addi %scan3A_7, %scan3A_8 : i32
    %scan3A_10 = arith.constant 1 : i32
    scf.for %scan3A_159 = %scan3A_7 to %scan3A_9 step %scan3A_10  : i32 {
      %jit3A = arith.constant 8 : i32
      %div3A = arith.divsi %scan3A_159, %jit3A : i32
      %sign3A = arith.constant 0 : i32
      %sign3A_160 = arith.cmpi sgt, %scan3A_159, %sign3A : i32
      %sign3A_161 = arith.extui %sign3A_160 : i1 to i32
      %sign3A_162 = arith.constant 0 : i32
      %sign3A_163 = arith.cmpi slt, %scan3A_159, %sign3A_162 : i32
      %sign3A_164 = arith.extui %sign3A_163 : i1 to i32
      %sign3A_165 = arith.subi %sign3A_161, %sign3A_164 : i32
      %sign3A_166 = arith.constant 0 : i32
      %sign3A_167 = arith.cmpi sgt, %jit3A, %sign3A_166 : i32
      %sign3A_168 = arith.extui %sign3A_167 : i1 to i32
      %sign3A_169 = arith.constant 0 : i32
      %sign3A_170 = arith.cmpi slt, %jit3A, %sign3A_169 : i32
      %sign3A_171 = arith.extui %sign3A_170 : i1 to i32
      %sign3A_172 = arith.subi %sign3A_168, %sign3A_171 : i32
      %ne3A = arith.cmpi ne, %sign3A_165, %sign3A_172 : i32
      %rem3A = arith.remsi %scan3A_159, %jit3A : i32
      %ne3A_173 = arith.constant 0 : i32
      %ne3A_174 = arith.cmpi ne, %rem3A, %ne3A_173 : i32
      %and3A = arith.andi %ne3A, %ne3A_174 : i1
      %sub3A = arith.constant 1 : i32
      %sub3A_175 = arith.subi %div3A, %sub3A : i32
      %select_n3A = arith.select %and3A, %sub3A_175, %div3A : i32
      %jit3A_176 = arith.constant 8 : i32
      %eq3A = arith.constant 0 : i32
      %eq3A_177 = arith.cmpi eq, %jit3A_176, %eq3A : i32
      %jit3A_178 = arith.constant 1 : i32
      %select_n3A_179 = arith.select %eq3A_177, %jit3A_178, %jit3A_176 : i32
      %rem3A_180 = arith.remsi %scan3A_159, %select_n3A_179 : i32
      %ne3A_181 = arith.constant 0 : i32
      %ne3A_182 = arith.cmpi ne, %rem3A_180, %ne3A_181 : i32
      %lt3A = arith.constant 0 : i32
      %lt3A_183 = arith.cmpi slt, %rem3A_180, %lt3A : i32
      %lt3A_184 = arith.constant 0 : i32
      %lt3A_185 = arith.cmpi slt, %select_n3A_179, %lt3A_184 : i32
      %ne3A_186 = arith.xori %lt3A_183, %lt3A_185 : i1
      %and3A_187 = arith.andi %ne3A_186, %ne3A_182 : i1
      %add3A_188 = arith.addi %rem3A_180, %select_n3A_179 : i32
      %select_n3A_189 = arith.select %and3A_187, %add3A_188, %rem3A_180 : i32
      %mul3A_190 = arith.constant 16 : i32
      %mul3A_191 = arith.muli %select_n3A_189, %mul3A_190 : i32
      %get3A = arith.index_cast %select_n3A : i32 to index
      %get3A_192 = arith.index_cast %mul3A_191 : i32 to index
      %get3A_193 = tpu.vector_load %arg7[%get3A, %get3A_192] {strides = array<i32>} : memref<9x128xi32, #tpu.memory_space<vmem>>, vector<16xi32>,
      %get3A_194 = arith.index_cast %select_n3A : i32 to index
      %get3A_195 = arith.index_cast %mul3A_191 : i32 to index
      %get3A_196 = tpu.vector_load %arg8[%get3A_194, %get3A_195] {strides = array<i32>} : memref<9x128xi32, #tpu.memory_space<vmem>>, vector<16xi32>,
      %mul3A_197 = arith.constant 16 : i32
      %mul3A_198 = arith.muli %scan3A_159, %mul3A_197 : i32
      %add3A_199 = arith.addi %mul3A_2, %mul3A_198 : i32
      %iota3A = tpu.iota {dimensions = array<i32: 0>} : vector<16xi32>
      %add3A_200 = vector.broadcast %add3A_199 : i32 to vector<16xi32>
      %add3A_201 = arith.addi %add3A_200, %iota3A : vector<16xi32>
      %lt3A_202 = arith.constant 33858 : i32
      %lt3A_203 = vector.broadcast %lt3A_202 : i32 to vector<16xi32>
      %lt3A_204 = arith.cmpi slt, %add3A_201, %lt3A_203 : vector<16xi32>
      %mul3A_205 = arith.constant 1056 : i32
      %mul3A_206 = vector.broadcast %mul3A_205 : i32 to vector<16xi32>
      %mul3A_207 = arith.muli %get3A_196, %mul3A_206 : vector<16xi32>
      %add3A_208 = arith.addi %mul3A_207, %get3A_193 : vector<16xi32>
      %jit3A_209 = arith.constant 1083456 : i32
      %broadcast_in_dim3A = vector.broadcast %jit3A_209 : i32 to vector<16xi32>
      %select_n3A_210 = arith.select %lt3A_204, %add3A_208, %broadcast_in_dim3A : vector<16xi1>, vector<16xi32>
      %swap3A = arith.index_cast %select_n3A : i32 to index
      %swap3A_211 = arith.index_cast %mul3A_191 : i32 to index
      %swap3A_212 = tpu.vector_load %arg9[%swap3A, %swap3A_211] {strides = array<i32>} : memref<9x128xi32, #tpu.memory_space<vmem>>, vector<16xi32>,
      tpu.vector_store %arg9[%swap3A, %swap3A_211], %select_n3A_210 {strides = array<i32>} : memref<9x128xi32, #tpu.memory_space<vmem>>, vector<16xi32>,
    }
    %scan3A_11 = arith.constant 72 : i32
    %barrier3A = arith.constant 0 : index
    tpu.barrier barrier_id(%barrier3A)
    %dma_start3A = arith.constant 0 : i32
    %dma_start3A_12 = arith.constant 0 : i32
    %dma_start3A_13 = tpu.memref_slice %arg10[%dma_start3A_12] : memref<1152xf32, #tpu.memory_space<vmem>> -> memref<128xf32, #tpu.memory_space<vmem>>
    %dma_start3A_14 = arith.constant 0 : i32
    %dma_start3A_15 = tpu.memref_slice %arg9[%dma_start3A, %dma_start3A_14] : memref<9x128xi32, #tpu.memory_space<vmem>> -> memref<1x128xi32, #tpu.memory_space<vmem>>
    %dma_start3A_16 = tpu.memref_squeeze %dma_start3A_15 : memref<1x128xi32, #tpu.memory_space<vmem>> -> memref<128xi32, #tpu.memory_space<vmem>>
    %dma_start3A_17 = arith.constant 0 : i32
    %dma_start3A_18 = tpu.memref_slice %arg11[%dma_start3A_17] : memref<1098240xf32, #tpu.memory_space<vmem_shared>> -> memref<1098240xf32, #tpu.memory_space<vmem_shared>>
    tpu.enqueue_indirect_dma source(%dma_start3A_13 : memref<128xf32, #tpu.memory_space<vmem>>) target(%dma_start3A_18 : memref<1098240xf32, #tpu.memory_space<vmem_shared>>) offsets(%dma_start3A_16 : memref<128xi32, #tpu.memory_space<vmem>>) semaphore(%arg12 : memref<!tpu.dma_semaphore, #tpu.memory_space<semaphore_mem>>) {add = true}
    %dma_start3A_19 = arith.constant 1 : i32
    %dma_start3A_20 = arith.constant 128 : i32
    %dma_start3A_21 = tpu.memref_slice %arg10[%dma_start3A_20] : memref<1152xf32, #tpu.memory_space<vmem>> -> memref<128xf32, #tpu.memory_space<vmem>>
    %dma_start3A_22 = arith.constant 0 : i32
    %dma_start3A_23 = tpu.memref_slice %arg9[%dma_start3A_19, %dma_start3A_22] : memref<9x128xi32, #tpu.memory_space<vmem>> -> memref<1x128xi32, #tpu.memory_space<vmem>>
    %dma_start3A_24 = tpu.memref_squeeze %dma_start3A_23 : memref<1x128xi32, #tpu.memory_space<vmem>> -> memref<128xi32, #tpu.memory_space<vmem>>
    %dma_start3A_25 = arith.constant 0 : i32
    %dma_start3A_26 = tpu.memref_slice %arg11[%dma_start3A_25] : memref<1098240xf32, #tpu.memory_space<vmem_shared>> -> memref<1098240xf32, #tpu.memory_space<vmem_shared>>
    tpu.enqueue_indirect_dma source(%dma_start3A_21 : memref<128xf32, #tpu.memory_space<vmem>>) target(%dma_start3A_26 : memref<1098240xf32, #tpu.memory_space<vmem_shared>>) offsets(%dma_start3A_24 : memref<128xi32, #tpu.memory_space<vmem>>) semaphore(%arg12 : memref<!tpu.dma_semaphore, #tpu.memory_space<semaphore_mem>>) {add = true}
    %dma_start3A_27 = arith.constant 2 : i32
    %dma_start3A_28 = arith.constant 256 : i32
    %dma_start3A_29 = tpu.memref_slice %arg10[%dma_start3A_28] : memref<1152xf32, #tpu.memory_space<vmem>> -> memref<128xf32, #tpu.memory_space<vmem>>
    %dma_start3A_30 = arith.constant 0 : i32
    %dma_start3A_31 = tpu.memref_slice %arg9[%dma_start3A_27, %dma_start3A_30] : memref<9x128xi32, #tpu.memory_space<vmem>> -> memref<1x128xi32, #tpu.memory_space<vmem>>
    %dma_start3A_32 = tpu.memref_squeeze %dma_start3A_31 : memref<1x128xi32, #tpu.memory_space<vmem>> -> memref<128xi32, #tpu.memory_space<vmem>>
    %dma_start3A_33 = arith.constant 0 : i32
    %dma_start3A_34 = tpu.memref_slice %arg11[%dma_start3A_33] : memref<1098240xf32, #tpu.memory_space<vmem_shared>> -> memref<1098240xf32, #tpu.memory_space<vmem_shared>>
    tpu.enqueue_indirect_dma source(%dma_start3A_29 : memref<128xf32, #tpu.memory_space<vmem>>) target(%dma_start3A_34 : memref<1098240xf32, #tpu.memory_space<vmem_shared>>) offsets(%dma_start3A_32 : memref<128xi32, #tpu.memory_space<vmem>>) semaphore(%arg12 : memref<!tpu.dma_semaphore, #tpu.memory_space<semaphore_mem>>) {add = true}
    %dma_start3A_35 = arith.constant 3 : i32
    %dma_start3A_36 = arith.constant 384 : i32
    %dma_start3A_37 = tpu.memref_slice %arg10[%dma_start3A_36] : memref<1152xf32, #tpu.memory_space<vmem>> -> memref<128xf32, #tpu.memory_space<vmem>>
    %dma_start3A_38 = arith.constant 0 : i32
    %dma_start3A_39 = tpu.memref_slice %arg9[%dma_start3A_35, %dma_start3A_38] : memref<9x128xi32, #tpu.memory_space<vmem>> -> memref<1x128xi32, #tpu.memory_space<vmem>>
    %dma_start3A_40 = tpu.memref_squeeze %dma_start3A_39 : memref<1x128xi32, #tpu.memory_space<vmem>> -> memref<128xi32, #tpu.memory_space<vmem>>
    %dma_start3A_41 = arith.constant 0 : i32
    %dma_start3A_42 = tpu.memref_slice %arg11[%dma_start3A_41] : memref<1098240xf32, #tpu.memory_space<vmem_shared>> -> memref<1098240xf32, #tpu.memory_space<vmem_shared>>
    tpu.enqueue_indirect_dma source(%dma_start3A_37 : memref<128xf32, #tpu.memory_space<vmem>>) target(%dma_start3A_42 : memref<1098240xf32, #tpu.memory_space<vmem_shared>>) offsets(%dma_start3A_40 : memref<128xi32, #tpu.memory_space<vmem>>) semaphore(%arg12 : memref<!tpu.dma_semaphore, #tpu.memory_space<semaphore_mem>>) {add = true}
    %dma_start3A_43 = arith.constant 4 : i32
    %dma_start3A_44 = arith.constant 512 : i32
    %dma_start3A_45 = tpu.memref_slice %arg10[%dma_start3A_44] : memref<1152xf32, #tpu.memory_space<vmem>> -> memref<128xf32, #tpu.memory_space<vmem>>
    %dma_start3A_46 = arith.constant 0 : i32
    %dma_start3A_47 = tpu.memref_slice %arg9[%dma_start3A_43, %dma_start3A_46] : memref<9x128xi32, #tpu.memory_space<vmem>> -> memref<1x128xi32, #tpu.memory_space<vmem>>
    %dma_start3A_48 = tpu.memref_squeeze %dma_start3A_47 : memref<1x128xi32, #tpu.memory_space<vmem>> -> memref<128xi32, #tpu.memory_space<vmem>>
    %dma_start3A_49 = arith.constant 0 : i32
    %dma_start3A_50 = tpu.memref_slice %arg11[%dma_start3A_49] : memref<1098240xf32, #tpu.memory_space<vmem_shared>> -> memref<1098240xf32, #tpu.memory_space<vmem_shared>>
    tpu.enqueue_indirect_dma source(%dma_start3A_45 : memref<128xf32, #tpu.memory_space<vmem>>) target(%dma_start3A_50 : memref<1098240xf32, #tpu.memory_space<vmem_shared>>) offsets(%dma_start3A_48 : memref<128xi32, #tpu.memory_space<vmem>>) semaphore(%arg12 : memref<!tpu.dma_semaphore, #tpu.memory_space<semaphore_mem>>) {add = true}
    %dma_start3A_51 = arith.constant 5 : i32
    %dma_start3A_52 = arith.constant 640 : i32
    %dma_start3A_53 = tpu.memref_slice %arg10[%dma_start3A_52] : memref<1152xf32, #tpu.memory_space<vmem>> -> memref<128xf32, #tpu.memory_space<vmem>>
    %dma_start3A_54 = arith.constant 0 : i32
    %dma_start3A_55 = tpu.memref_slice %arg9[%dma_start3A_51, %dma_start3A_54] : memref<9x128xi32, #tpu.memory_space<vmem>> -> memref<1x128xi32, #tpu.memory_space<vmem>>
    %dma_start3A_56 = tpu.memref_squeeze %dma_start3A_55 : memref<1x128xi32, #tpu.memory_space<vmem>> -> memref<128xi32, #tpu.memory_space<vmem>>
    %dma_start3A_57 = arith.constant 0 : i32
    %dma_start3A_58 = tpu.memref_slice %arg11[%dma_start3A_57] : memref<1098240xf32, #tpu.memory_space<vmem_shared>> -> memref<1098240xf32, #tpu.memory_space<vmem_shared>>
    tpu.enqueue_indirect_dma source(%dma_start3A_53 : memref<128xf32, #tpu.memory_space<vmem>>) target(%dma_start3A_58 : memref<1098240xf32, #tpu.memory_space<vmem_shared>>) offsets(%dma_start3A_56 : memref<128xi32, #tpu.memory_space<vmem>>) semaphore(%arg12 : memref<!tpu.dma_semaphore, #tpu.memory_space<semaphore_mem>>) {add = true}
    %dma_start3A_59 = arith.constant 6 : i32
    %dma_start3A_60 = arith.constant 768 : i32
    %dma_start3A_61 = tpu.memref_slice %arg10[%dma_start3A_60] : memref<1152xf32, #tpu.memory_space<vmem>> -> memref<128xf32, #tpu.memory_space<vmem>>
    %dma_start3A_62 = arith.constant 0 : i32
    %dma_start3A_63 = tpu.memref_slice %arg9[%dma_start3A_59, %dma_start3A_62] : memref<9x128xi32, #tpu.memory_space<vmem>> -> memref<1x128xi32, #tpu.memory_space<vmem>>
    %dma_start3A_64 = tpu.memref_squeeze %dma_start3A_63 : memref<1x128xi32, #tpu.memory_space<vmem>> -> memref<128xi32, #tpu.memory_space<vmem>>
    %dma_start3A_65 = arith.constant 0 : i32
    %dma_start3A_66 = tpu.memref_slice %arg11[%dma_start3A_65] : memref<1098240xf32, #tpu.memory_space<vmem_shared>> -> memref<1098240xf32, #tpu.memory_space<vmem_shared>>
    tpu.enqueue_indirect_dma source(%dma_start3A_61 : memref<128xf32, #tpu.memory_space<vmem>>) target(%dma_start3A_66 : memref<1098240xf32, #tpu.memory_space<vmem_shared>>) offsets(%dma_start3A_64 : memref<128xi32, #tpu.memory_space<vmem>>) semaphore(%arg12 : memref<!tpu.dma_semaphore, #tpu.memory_space<semaphore_mem>>) {add = true}
    %dma_start3A_67 = arith.constant 7 : i32
    %dma_start3A_68 = arith.constant 896 : i32
    %dma_start3A_69 = tpu.memref_slice %arg10[%dma_start3A_68] : memref<1152xf32, #tpu.memory_space<vmem>> -> memref<128xf32, #tpu.memory_space<vmem>>
    %dma_start3A_70 = arith.constant 0 : i32
    %dma_start3A_71 = tpu.memref_slice %arg9[%dma_start3A_67, %dma_start3A_70] : memref<9x128xi32, #tpu.memory_space<vmem>> -> memref<1x128xi32, #tpu.memory_space<vmem>>
    %dma_start3A_72 = tpu.memref_squeeze %dma_start3A_71 : memref<1x128xi32, #tpu.memory_space<vmem>> -> memref<128xi32, #tpu.memory_space<vmem>>
    %dma_start3A_73 = arith.constant 0 : i32
    %dma_start3A_74 = tpu.memref_slice %arg11[%dma_start3A_73] : memref<1098240xf32, #tpu.memory_space<vmem_shared>> -> memref<1098240xf32, #tpu.memory_space<vmem_shared>>
    tpu.enqueue_indirect_dma source(%dma_start3A_69 : memref<128xf32, #tpu.memory_space<vmem>>) target(%dma_start3A_74 : memref<1098240xf32, #tpu.memory_space<vmem_shared>>) offsets(%dma_start3A_72 : memref<128xi32, #tpu.memory_space<vmem>>) semaphore(%arg12 : memref<!tpu.dma_semaphore, #tpu.memory_space<semaphore_mem>>) {add = true}
    %dma_start3A_75 = arith.constant 8 : i32
    %dma_start3A_76 = arith.constant 1024 : i32
    %dma_start3A_77 = tpu.memref_slice %arg10[%dma_start3A_76] : memref<1152xf32, #tpu.memory_space<vmem>> -> memref<128xf32, #tpu.memory_space<vmem>>
    %dma_start3A_78 = arith.constant 0 : i32
    %dma_start3A_79 = tpu.memref_slice %arg9[%dma_start3A_75, %dma_start3A_78] : memref<9x128xi32, #tpu.memory_space<vmem>> -> memref<1x128xi32, #tpu.memory_space<vmem>>
    %dma_start3A_80 = tpu.memref_squeeze %dma_start3A_79 : memref<1x128xi32, #tpu.memory_space<vmem>> -> memref<128xi32, #tpu.memory_space<vmem>>
    %dma_start3A_81 = arith.constant 0 : i32
    %dma_start3A_82 = tpu.memref_slice %arg11[%dma_start3A_81] : memref<1098240xf32, #tpu.memory_space<vmem_shared>> -> memref<1098240xf32, #tpu.memory_space<vmem_shared>>
    tpu.enqueue_indirect_dma source(%dma_start3A_77 : memref<128xf32, #tpu.memory_space<vmem>>) target(%dma_start3A_82 : memref<1098240xf32, #tpu.memory_space<vmem_shared>>) offsets(%dma_start3A_80 : memref<128xi32, #tpu.memory_space<vmem>>) semaphore(%arg12 : memref<!tpu.dma_semaphore, #tpu.memory_space<semaphore_mem>>) {add = true}
    %dma_wait3A = arith.constant 0 : i32
    %dma_wait3A_83 = arith.constant 0 : i32
    %dma_wait3A_84 = tpu.memref_slice %arg10[%dma_wait3A_83] : memref<1152xf32, #tpu.memory_space<vmem>> -> memref<128xf32, #tpu.memory_space<vmem>>
    %dma_wait3A_85 = arith.constant 0 : i32
    %dma_wait3A_86 = tpu.memref_slice %arg9[%dma_wait3A, %dma_wait3A_85] : memref<9x128xi32, #tpu.memory_space<vmem>> -> memref<1x128xi32, #tpu.memory_space<vmem>>
    %dma_wait3A_87 = tpu.memref_squeeze %dma_wait3A_86 : memref<1x128xi32, #tpu.memory_space<vmem>> -> memref<128xi32, #tpu.memory_space<vmem>>
    %dma_wait3A_88 = arith.constant 0 : i32
    %dma_wait3A_89 = tpu.memref_slice %arg11[%dma_wait3A_88] : memref<1098240xf32, #tpu.memory_space<vmem_shared>> -> memref<1098240xf32, #tpu.memory_space<vmem_shared>>
    tpu.wait_indirect_dma semaphore(%arg12 : memref<!tpu.dma_semaphore, #tpu.memory_space<semaphore_mem>>) src(%dma_wait3A_84 : memref<128xf32, #tpu.memory_space<vmem>>) dst(%dma_wait3A_89 : memref<1098240xf32, #tpu.memory_space<vmem_shared>>)
    %dma_wait3A_90 = arith.constant 1 : i32
    %dma_wait3A_91 = arith.constant 128 : i32
    %dma_wait3A_92 = tpu.memref_slice %arg10[%dma_wait3A_91] : memref<1152xf32, #tpu.memory_space<vmem>> -> memref<128xf32, #tpu.memory_space<vmem>>
    %dma_wait3A_93 = arith.constant 0 : i32
    %dma_wait3A_94 = tpu.memref_slice %arg9[%dma_wait3A_90, %dma_wait3A_93] : memref<9x128xi32, #tpu.memory_space<vmem>> -> memref<1x128xi32, #tpu.memory_space<vmem>>
    %dma_wait3A_95 = tpu.memref_squeeze %dma_wait3A_94 : memref<1x128xi32, #tpu.memory_space<vmem>> -> memref<128xi32, #tpu.memory_space<vmem>>
    %dma_wait3A_96 = arith.constant 0 : i32
    %dma_wait3A_97 = tpu.memref_slice %arg11[%dma_wait3A_96] : memref<1098240xf32, #tpu.memory_space<vmem_shared>> -> memref<1098240xf32, #tpu.memory_space<vmem_shared>>
    tpu.wait_indirect_dma semaphore(%arg12 : memref<!tpu.dma_semaphore, #tpu.memory_space<semaphore_mem>>) src(%dma_wait3A_92 : memref<128xf32, #tpu.memory_space<vmem>>) dst(%dma_wait3A_97 : memref<1098240xf32, #tpu.memory_space<vmem_shared>>)
    %dma_wait3A_98 = arith.constant 2 : i32
    %dma_wait3A_99 = arith.constant 256 : i32
    %dma_wait3A_100 = tpu.memref_slice %arg10[%dma_wait3A_99] : memref<1152xf32, #tpu.memory_space<vmem>> -> memref<128xf32, #tpu.memory_space<vmem>>
    %dma_wait3A_101 = arith.constant 0 : i32
    %dma_wait3A_102 = tpu.memref_slice %arg9[%dma_wait3A_98, %dma_wait3A_101] : memref<9x128xi32, #tpu.memory_space<vmem>> -> memref<1x128xi32, #tpu.memory_space<vmem>>
    %dma_wait3A_103 = tpu.memref_squeeze %dma_wait3A_102 : memref<1x128xi32, #tpu.memory_space<vmem>> -> memref<128xi32, #tpu.memory_space<vmem>>
    %dma_wait3A_104 = arith.constant 0 : i32
    %dma_wait3A_105 = tpu.memref_slice %arg11[%dma_wait3A_104] : memref<1098240xf32, #tpu.memory_space<vmem_shared>> -> memref<1098240xf32, #tpu.memory_space<vmem_shared>>
    tpu.wait_indirect_dma semaphore(%arg12 : memref<!tpu.dma_semaphore, #tpu.memory_space<semaphore_mem>>) src(%dma_wait3A_100 : memref<128xf32, #tpu.memory_space<vmem>>) dst(%dma_wait3A_105 : memref<1098240xf32, #tpu.memory_space<vmem_shared>>)
    %dma_wait3A_106 = arith.constant 3 : i32
    %dma_wait3A_107 = arith.constant 384 : i32
    %dma_wait3A_108 = tpu.memref_slice %arg10[%dma_wait3A_107] : memref<1152xf32, #tpu.memory_space<vmem>> -> memref<128xf32, #tpu.memory_space<vmem>>
    %dma_wait3A_109 = arith.constant 0 : i32
    %dma_wait3A_110 = tpu.memref_slice %arg9[%dma_wait3A_106, %dma_wait3A_109] : memref<9x128xi32, #tpu.memory_space<vmem>> -> memref<1x128xi32, #tpu.memory_space<vmem>>
    %dma_wait3A_111 = tpu.memref_squeeze %dma_wait3A_110 : memref<1x128xi32, #tpu.memory_space<vmem>> -> memref<128xi32, #tpu.memory_space<vmem>>
    %dma_wait3A_112 = arith.constant 0 : i32
    %dma_wait3A_113 = tpu.memref_slice %arg11[%dma_wait3A_112] : memref<1098240xf32, #tpu.memory_space<vmem_shared>> -> memref<1098240xf32, #tpu.memory_space<vmem_shared>>
    tpu.wait_indirect_dma semaphore(%arg12 : memref<!tpu.dma_semaphore, #tpu.memory_space<semaphore_mem>>) src(%dma_wait3A_108 : memref<128xf32, #tpu.memory_space<vmem>>) dst(%dma_wait3A_113 : memref<1098240xf32, #tpu.memory_space<vmem_shared>>)
    %dma_wait3A_114 = arith.constant 4 : i32
    %dma_wait3A_115 = arith.constant 512 : i32
    %dma_wait3A_116 = tpu.memref_slice %arg10[%dma_wait3A_115] : memref<1152xf32, #tpu.memory_space<vmem>> -> memref<128xf32, #tpu.memory_space<vmem>>
    %dma_wait3A_117 = arith.constant 0 : i32
    %dma_wait3A_118 = tpu.memref_slice %arg9[%dma_wait3A_114, %dma_wait3A_117] : memref<9x128xi32, #tpu.memory_space<vmem>> -> memref<1x128xi32, #tpu.memory_space<vmem>>
    %dma_wait3A_119 = tpu.memref_squeeze %dma_wait3A_118 : memref<1x128xi32, #tpu.memory_space<vmem>> -> memref<128xi32, #tpu.memory_space<vmem>>
    %dma_wait3A_120 = arith.constant 0 : i32
    %dma_wait3A_121 = tpu.memref_slice %arg11[%dma_wait3A_120] : memref<1098240xf32, #tpu.memory_space<vmem_shared>> -> memref<1098240xf32, #tpu.memory_space<vmem_shared>>
    tpu.wait_indirect_dma semaphore(%arg12 : memref<!tpu.dma_semaphore, #tpu.memory_space<semaphore_mem>>) src(%dma_wait3A_116 : memref<128xf32, #tpu.memory_space<vmem>>) dst(%dma_wait3A_121 : memref<1098240xf32, #tpu.memory_space<vmem_shared>>)
    %dma_wait3A_122 = arith.constant 5 : i32
    %dma_wait3A_123 = arith.constant 640 : i32
    %dma_wait3A_124 = tpu.memref_slice %arg10[%dma_wait3A_123] : memref<1152xf32, #tpu.memory_space<vmem>> -> memref<128xf32, #tpu.memory_space<vmem>>
    %dma_wait3A_125 = arith.constant 0 : i32
    %dma_wait3A_126 = tpu.memref_slice %arg9[%dma_wait3A_122, %dma_wait3A_125] : memref<9x128xi32, #tpu.memory_space<vmem>> -> memref<1x128xi32, #tpu.memory_space<vmem>>
    %dma_wait3A_127 = tpu.memref_squeeze %dma_wait3A_126 : memref<1x128xi32, #tpu.memory_space<vmem>> -> memref<128xi32, #tpu.memory_space<vmem>>
    %dma_wait3A_128 = arith.constant 0 : i32
    %dma_wait3A_129 = tpu.memref_slice %arg11[%dma_wait3A_128] : memref<1098240xf32, #tpu.memory_space<vmem_shared>> -> memref<1098240xf32, #tpu.memory_space<vmem_shared>>
    tpu.wait_indirect_dma semaphore(%arg12 : memref<!tpu.dma_semaphore, #tpu.memory_space<semaphore_mem>>) src(%dma_wait3A_124 : memref<128xf32, #tpu.memory_space<vmem>>) dst(%dma_wait3A_129 : memref<1098240xf32, #tpu.memory_space<vmem_shared>>)
    %dma_wait3A_130 = arith.constant 6 : i32
    %dma_wait3A_131 = arith.constant 768 : i32
    %dma_wait3A_132 = tpu.memref_slice %arg10[%dma_wait3A_131] : memref<1152xf32, #tpu.memory_space<vmem>> -> memref<128xf32, #tpu.memory_space<vmem>>
    %dma_wait3A_133 = arith.constant 0 : i32
    %dma_wait3A_134 = tpu.memref_slice %arg9[%dma_wait3A_130, %dma_wait3A_133] : memref<9x128xi32, #tpu.memory_space<vmem>> -> memref<1x128xi32, #tpu.memory_space<vmem>>
    %dma_wait3A_135 = tpu.memref_squeeze %dma_wait3A_134 : memref<1x128xi32, #tpu.memory_space<vmem>> -> memref<128xi32, #tpu.memory_space<vmem>>
    %dma_wait3A_136 = arith.constant 0 : i32
    %dma_wait3A_137 = tpu.memref_slice %arg11[%dma_wait3A_136] : memref<1098240xf32, #tpu.memory_space<vmem_shared>> -> memref<1098240xf32, #tpu.memory_space<vmem_shared>>
    tpu.wait_indirect_dma semaphore(%arg12 : memref<!tpu.dma_semaphore, #tpu.memory_space<semaphore_mem>>) src(%dma_wait3A_132 : memref<128xf32, #tpu.memory_space<vmem>>) dst(%dma_wait3A_137 : memref<1098240xf32, #tpu.memory_space<vmem_shared>>)
    %dma_wait3A_138 = arith.constant 7 : i32
    %dma_wait3A_139 = arith.constant 896 : i32
    %dma_wait3A_140 = tpu.memref_slice %arg10[%dma_wait3A_139] : memref<1152xf32, #tpu.memory_space<vmem>> -> memref<128xf32, #tpu.memory_space<vmem>>
    %dma_wait3A_141 = arith.constant 0 : i32
    %dma_wait3A_142 = tpu.memref_slice %arg9[%dma_wait3A_138, %dma_wait3A_141] : memref<9x128xi32, #tpu.memory_space<vmem>> -> memref<1x128xi32, #tpu.memory_space<vmem>>
    %dma_wait3A_143 = tpu.memref_squeeze %dma_wait3A_142 : memref<1x128xi32, #tpu.memory_space<vmem>> -> memref<128xi32, #tpu.memory_space<vmem>>
    %dma_wait3A_144 = arith.constant 0 : i32
    %dma_wait3A_145 = tpu.memref_slice %arg11[%dma_wait3A_144] : memref<1098240xf32, #tpu.memory_space<vmem_shared>> -> memref<1098240xf32, #tpu.memory_space<vmem_shared>>
    tpu.wait_indirect_dma semaphore(%arg12 : memref<!tpu.dma_semaphore, #tpu.memory_space<semaphore_mem>>) src(%dma_wait3A_140 : memref<128xf32, #tpu.memory_space<vmem>>) dst(%dma_wait3A_145 : memref<1098240xf32, #tpu.memory_space<vmem_shared>>)
    %dma_wait3A_146 = arith.constant 8 : i32
    %dma_wait3A_147 = arith.constant 1024 : i32
    %dma_wait3A_148 = tpu.memref_slice %arg10[%dma_wait3A_147] : memref<1152xf32, #tpu.memory_space<vmem>> -> memref<128xf32, #tpu.memory_space<vmem>>
    %dma_wait3A_149 = arith.constant 0 : i32
    %dma_wait3A_150 = tpu.memref_slice %arg9[%dma_wait3A_146, %dma_wait3A_149] : memref<9x128xi32, #tpu.memory_space<vmem>> -> memref<1x128xi32, #tpu.memory_space<vmem>>
    %dma_wait3A_151 = tpu.memref_squeeze %dma_wait3A_150 : memref<1x128xi32, #tpu.memory_space<vmem>> -> memref<128xi32, #tpu.memory_space<vmem>>
    %dma_wait3A_152 = arith.constant 0 : i32
    %dma_wait3A_153 = tpu.memref_slice %arg11[%dma_wait3A_152] : memref<1098240xf32, #tpu.memory_space<vmem_shared>> -> memref<1098240xf32, #tpu.memory_space<vmem_shared>>
    tpu.wait_indirect_dma semaphore(%arg12 : memref<!tpu.dma_semaphore, #tpu.memory_space<semaphore_mem>>) src(%dma_wait3A_148 : memref<128xf32, #tpu.memory_space<vmem>>) dst(%dma_wait3A_153 : memref<1098240xf32, #tpu.memory_space<vmem_shared>>)
    %barrier3A_154 = arith.constant 0 : index
    tpu.barrier barrier_id(%barrier3A_154)
    %mul3A_155 = arith.constant 68640 : i32
    %mul3A_156 = arith.muli %arg1, %mul3A_155 : i32
    %mul3A_157 = arith.constant 68640 : i32
    %mul3A_158 = arith.muli %arg1, %mul3A_157 : i32
    "tpu.region"() ({
      %run_scoped3A = tpu.sem_alloc : memref<!tpu.dma_semaphore, #tpu.memory_space<semaphore_mem>>
      %dma_start3A_159 = tpu.memref_slice %arg6[%arg0, %mul3A_158] : memref<2x1098240xf32, #tpu.memory_space<hbm>> -> memref<1x68640xf32, #tpu.memory_space<hbm>>
      %dma_start3A_160 = tpu.memref_squeeze %dma_start3A_159 : memref<1x68640xf32, #tpu.memory_space<hbm>> -> memref<68640xf32, #tpu.memory_space<hbm>>
      %dma_start3A_161 = tpu.memref_slice %arg11[%mul3A_156] : memref<1098240xf32, #tpu.memory_space<vmem_shared>> -> memref<68640xf32, #tpu.memory_space<vmem_shared>>
      tpu.enqueue_dma source(%dma_start3A_161 : memref<68640xf32, #tpu.memory_space<vmem_shared>>) target(%dma_start3A_160 : memref<68640xf32, #tpu.memory_space<hbm>>) target_semaphore(%run_scoped3A : memref<!tpu.dma_semaphore, #tpu.memory_space<semaphore_mem>>)
      %dma_wait3A_162 = tpu.memref_slice %arg6[%arg0, %mul3A_158] : memref<2x1098240xf32, #tpu.memory_space<hbm>> -> memref<1x68640xf32, #tpu.memory_space<hbm>>
      %dma_wait3A_163 = tpu.memref_squeeze %dma_wait3A_162 : memref<1x68640xf32, #tpu.memory_space<hbm>> -> memref<68640xf32, #tpu.memory_space<hbm>>
      %dma_wait3A_164 = tpu.memref_slice %arg11[%mul3A_156] : memref<1098240xf32, #tpu.memory_space<vmem_shared>> -> memref<68640xf32, #tpu.memory_space<vmem_shared>>
      tpu.wait_dma2 semaphore(%run_scoped3A : memref<!tpu.dma_semaphore, #tpu.memory_space<semaphore_mem>>) src(%dma_wait3A_164 : memref<68640xf32, #tpu.memory_space<vmem_shared>>) dst(%dma_wait3A_163 : memref<68640xf32, #tpu.memory_space<hbm>>)
      tpu.yield
    }) : () -> ()
    return
  }
}

module attributes {stable_mosaic.version = 14 : i64} {
  func.func @_lstm_proj_body(%arg0: memref<12x1040x8xf32, #tpu.memory_space<vmem>>, %arg1: memref<8x256xf32, #tpu.memory_space<vmem>>, %arg2: memref<64x256xf32, #tpu.memory_space<vmem>>, %arg3: memref<1x256xf32, #tpu.memory_space<vmem>>, %arg4: memref<64x64xf32, #tpu.memory_space<vmem>>, %arg5: memref<64x1xf32, #tpu.memory_space<vmem>>, %arg6: memref<64x1xf32, #tpu.memory_space<vmem>>, %arg7: memref<1040x64xf32, #tpu.memory_space<vmem>>, %arg8: memref<1040x64xf32, #tpu.memory_space<vmem>>, %arg9: memref<1040x80xf32, #tpu.memory_space<vmem>>, %arg10: memref<1040x1xf32, #tpu.memory_space<vmem>>, %arg11: memref<1040x1xf32, #tpu.memory_space<vmem>>, %arg12: memref<1040x1xf32, #tpu.memory_space<vmem>>) attributes {dimension_semantics = [], scalar_prefetch = 0 : i64, scratch_operands = 0 : i64, tpu.core_type = #tpu.core_type<tc>} {
    %get3A = arith.constant 0 : index
    %get3A_0 = arith.constant 0 : index
    %get3A_1 = vector.load %arg7[%get3A, %get3A_0] : memref<1040x64xf32, #tpu.memory_space<vmem>>, vector<1040x64xf32>
    %get3A_2 = arith.constant 0 : index
    %get3A_3 = arith.constant 0 : index
    %get3A_4 = vector.load %arg8[%get3A_2, %get3A_3] : memref<1040x64xf32, #tpu.memory_space<vmem>>, vector<1040x64xf32>
    %get3A_5 = arith.constant 0 : index
    %get3A_6 = arith.constant 0 : index
    %get3A_7 = arith.constant 0 : index
    %get3A_8 = vector.load %arg0[%get3A_5, %get3A_6, %get3A_7] : memref<12x1040x8xf32, #tpu.memory_space<vmem>>, vector<1x1040x8xf32>
    %get3A_9 = vector.shape_cast %get3A_8 : vector<1x1040x8xf32> to vector<1040x8xf32>
    %get3A_10 = arith.constant 0 : index
    %get3A_11 = arith.constant 0 : index
    %get3A_12 = vector.load %arg1[%get3A_10, %get3A_11] : memref<8x256xf32, #tpu.memory_space<vmem>>, vector<8x256xf32>
    %dot_general3A = arith.constant dense<0.000000e+00> : vector<1040x256xf32>
    %dot_general3A_13 = tpu.matmul %get3A_9, %get3A_12, %dot_general3A {dimension_numbers = #tpu.dot_dimension_numbers<[1], [0], [0], [1], [0, 0, 1, 1], [], []>, transpose_lhs_hint = false} : vector<1040x8xf32>, vector<8x256xf32>, vector<1040x256xf32> -> vector<1040x256xf32>
    %get3A_14 = arith.constant 0 : index
    %get3A_15 = arith.constant 0 : index
    %get3A_16 = vector.load %arg2[%get3A_14, %get3A_15] : memref<64x256xf32, #tpu.memory_space<vmem>>, vector<64x256xf32>
    %dot_general3A_17 = arith.constant dense<0.000000e+00> : vector<1040x256xf32>
    %dot_general3A_18 = tpu.matmul %get3A_1, %get3A_16, %dot_general3A_17 {dimension_numbers = #tpu.dot_dimension_numbers<[1], [0], [0], [1], [0, 0, 1, 1], [], []>, transpose_lhs_hint = false} : vector<1040x64xf32>, vector<64x256xf32>, vector<1040x256xf32> -> vector<1040x256xf32>
    %add3A = arith.addf %dot_general3A_13, %dot_general3A_18 : vector<1040x256xf32>
    %get3A_19 = arith.constant 0 : index
    %get3A_20 = arith.constant 0 : index
    %get3A_21 = vector.load %arg3[%get3A_19, %get3A_20] : memref<1x256xf32, #tpu.memory_space<vmem>>, vector<1x256xf32>
    %add3A_22 = vector.broadcast %get3A_21 : vector<1x256xf32> to vector<1040x256xf32>
    %add3A_23 = arith.addf %add3A, %add3A_22 : vector<1040x256xf32>
    %slice3A = vector.extract_strided_slice %add3A_23 {offsets = [0, 0], sizes = [1040, 64], strides = [1, 1]} : vector<1040x256xf32> to vector<1040x64xf32>
    %logistic3A = arith.negf %slice3A : vector<1040x64xf32>
    %logistic3A_24 = math.exp %logistic3A : vector<1040x64xf32>
    %logistic3A_25 = arith.constant 1.000000e+00 : f32
    %logistic3A_26 = vector.broadcast %logistic3A_25 : f32 to vector<1040x64xf32>
    %logistic3A_27 = arith.addf %logistic3A_26, %logistic3A_24 : vector<1040x64xf32>
    %logistic3A_28 = arith.divf %logistic3A_26, %logistic3A_27 : vector<1040x64xf32>
    %slice3A_29 = vector.extract_strided_slice %add3A_23 {offsets = [0, 64], sizes = [1040, 64], strides = [1, 1]} : vector<1040x256xf32> to vector<1040x64xf32>
    %logistic3A_30 = arith.negf %slice3A_29 : vector<1040x64xf32>
    %logistic3A_31 = math.exp %logistic3A_30 : vector<1040x64xf32>
    %logistic3A_32 = arith.constant 1.000000e+00 : f32
    %logistic3A_33 = vector.broadcast %logistic3A_32 : f32 to vector<1040x64xf32>
    %logistic3A_34 = arith.addf %logistic3A_33, %logistic3A_31 : vector<1040x64xf32>
    %logistic3A_35 = arith.divf %logistic3A_33, %logistic3A_34 : vector<1040x64xf32>
    %slice3A_36 = vector.extract_strided_slice %add3A_23 {offsets = [0, 128], sizes = [1040, 64], strides = [1, 1]} : vector<1040x256xf32> to vector<1040x64xf32>
    %tanh3A = math.tanh %slice3A_36 : vector<1040x64xf32>
    %slice3A_37 = vector.extract_strided_slice %add3A_23 {offsets = [0, 192], sizes = [1040, 64], strides = [1, 1]} : vector<1040x256xf32> to vector<1040x64xf32>
    %logistic3A_38 = arith.negf %slice3A_37 : vector<1040x64xf32>
    %logistic3A_39 = math.exp %logistic3A_38 : vector<1040x64xf32>
    %logistic3A_40 = arith.constant 1.000000e+00 : f32
    %logistic3A_41 = vector.broadcast %logistic3A_40 : f32 to vector<1040x64xf32>
    %logistic3A_42 = arith.addf %logistic3A_41, %logistic3A_39 : vector<1040x64xf32>
    %logistic3A_43 = arith.divf %logistic3A_41, %logistic3A_42 : vector<1040x64xf32>
    %mul3A = arith.mulf %logistic3A_35, %get3A_4 : vector<1040x64xf32>
    %mul3A_44 = arith.mulf %logistic3A_28, %tanh3A : vector<1040x64xf32>
    %add3A_45 = arith.addf %mul3A, %mul3A_44 : vector<1040x64xf32>
    %tanh3A_46 = math.tanh %add3A_45 : vector<1040x64xf32>
    %mul3A_47 = arith.mulf %logistic3A_43, %tanh3A_46 : vector<1040x64xf32>
    %get3A_48 = arith.constant 1 : index
    %get3A_49 = arith.constant 0 : index
    %get3A_50 = arith.constant 0 : index
    %get3A_51 = vector.load %arg0[%get3A_48, %get3A_49, %get3A_50] : memref<12x1040x8xf32, #tpu.memory_space<vmem>>, vector<1x1040x8xf32>
    %get3A_52 = vector.shape_cast %get3A_51 : vector<1x1040x8xf32> to vector<1040x8xf32>
    %get3A_53 = arith.constant 0 : index
    %get3A_54 = arith.constant 0 : index
    %get3A_55 = vector.load %arg1[%get3A_53, %get3A_54] : memref<8x256xf32, #tpu.memory_space<vmem>>, vector<8x256xf32>
    %dot_general3A_56 = arith.constant dense<0.000000e+00> : vector<1040x256xf32>
    %dot_general3A_57 = tpu.matmul %get3A_52, %get3A_55, %dot_general3A_56 {dimension_numbers = #tpu.dot_dimension_numbers<[1], [0], [0], [1], [0, 0, 1, 1], [], []>, transpose_lhs_hint = false} : vector<1040x8xf32>, vector<8x256xf32>, vector<1040x256xf32> -> vector<1040x256xf32>
    %get3A_58 = arith.constant 0 : index
    %get3A_59 = arith.constant 0 : index
    %get3A_60 = vector.load %arg2[%get3A_58, %get3A_59] : memref<64x256xf32, #tpu.memory_space<vmem>>, vector<64x256xf32>
    %dot_general3A_61 = arith.constant dense<0.000000e+00> : vector<1040x256xf32>
    %dot_general3A_62 = tpu.matmul %mul3A_47, %get3A_60, %dot_general3A_61 {dimension_numbers = #tpu.dot_dimension_numbers<[1], [0], [0], [1], [0, 0, 1, 1], [], []>, transpose_lhs_hint = false} : vector<1040x64xf32>, vector<64x256xf32>, vector<1040x256xf32> -> vector<1040x256xf32>
    %add3A_63 = arith.addf %dot_general3A_57, %dot_general3A_62 : vector<1040x256xf32>
    %get3A_64 = arith.constant 0 : index
    %get3A_65 = arith.constant 0 : index
    %get3A_66 = vector.load %arg3[%get3A_64, %get3A_65] : memref<1x256xf32, #tpu.memory_space<vmem>>, vector<1x256xf32>
    %add3A_67 = vector.broadcast %get3A_66 : vector<1x256xf32> to vector<1040x256xf32>
    %add3A_68 = arith.addf %add3A_63, %add3A_67 : vector<1040x256xf32>
    %slice3A_69 = vector.extract_strided_slice %add3A_68 {offsets = [0, 0], sizes = [1040, 64], strides = [1, 1]} : vector<1040x256xf32> to vector<1040x64xf32>
    %logistic3A_70 = arith.negf %slice3A_69 : vector<1040x64xf32>
    %logistic3A_71 = math.exp %logistic3A_70 : vector<1040x64xf32>
    %logistic3A_72 = arith.constant 1.000000e+00 : f32
    %logistic3A_73 = vector.broadcast %logistic3A_72 : f32 to vector<1040x64xf32>
    %logistic3A_74 = arith.addf %logistic3A_73, %logistic3A_71 : vector<1040x64xf32>
    %logistic3A_75 = arith.divf %logistic3A_73, %logistic3A_74 : vector<1040x64xf32>
    %slice3A_76 = vector.extract_strided_slice %add3A_68 {offsets = [0, 64], sizes = [1040, 64], strides = [1, 1]} : vector<1040x256xf32> to vector<1040x64xf32>
    %logistic3A_77 = arith.negf %slice3A_76 : vector<1040x64xf32>
    %logistic3A_78 = math.exp %logistic3A_77 : vector<1040x64xf32>
    %logistic3A_79 = arith.constant 1.000000e+00 : f32
    %logistic3A_80 = vector.broadcast %logistic3A_79 : f32 to vector<1040x64xf32>
    %logistic3A_81 = arith.addf %logistic3A_80, %logistic3A_78 : vector<1040x64xf32>
    %logistic3A_82 = arith.divf %logistic3A_80, %logistic3A_81 : vector<1040x64xf32>
    %slice3A_83 = vector.extract_strided_slice %add3A_68 {offsets = [0, 128], sizes = [1040, 64], strides = [1, 1]} : vector<1040x256xf32> to vector<1040x64xf32>
    %tanh3A_84 = math.tanh %slice3A_83 : vector<1040x64xf32>
    %slice3A_85 = vector.extract_strided_slice %add3A_68 {offsets = [0, 192], sizes = [1040, 64], strides = [1, 1]} : vector<1040x256xf32> to vector<1040x64xf32>
    %logistic3A_86 = arith.negf %slice3A_85 : vector<1040x64xf32>
    %logistic3A_87 = math.exp %logistic3A_86 : vector<1040x64xf32>
    %logistic3A_88 = arith.constant 1.000000e+00 : f32
    %logistic3A_89 = vector.broadcast %logistic3A_88 : f32 to vector<1040x64xf32>
    %logistic3A_90 = arith.addf %logistic3A_89, %logistic3A_87 : vector<1040x64xf32>
    %logistic3A_91 = arith.divf %logistic3A_89, %logistic3A_90 : vector<1040x64xf32>
    %mul3A_92 = arith.mulf %logistic3A_82, %add3A_45 : vector<1040x64xf32>
    %mul3A_93 = arith.mulf %logistic3A_75, %tanh3A_84 : vector<1040x64xf32>
    %add3A_94 = arith.addf %mul3A_92, %mul3A_93 : vector<1040x64xf32>
    %tanh3A_95 = math.tanh %add3A_94 : vector<1040x64xf32>
    %mul3A_96 = arith.mulf %logistic3A_91, %tanh3A_95 : vector<1040x64xf32>
    %get3A_97 = arith.constant 2 : index
    %get3A_98 = arith.constant 0 : index
    %get3A_99 = arith.constant 0 : index
    %get3A_100 = vector.load %arg0[%get3A_97, %get3A_98, %get3A_99] : memref<12x1040x8xf32, #tpu.memory_space<vmem>>, vector<1x1040x8xf32>
    %get3A_101 = vector.shape_cast %get3A_100 : vector<1x1040x8xf32> to vector<1040x8xf32>
    %get3A_102 = arith.constant 0 : index
    %get3A_103 = arith.constant 0 : index
    %get3A_104 = vector.load %arg1[%get3A_102, %get3A_103] : memref<8x256xf32, #tpu.memory_space<vmem>>, vector<8x256xf32>
    %dot_general3A_105 = arith.constant dense<0.000000e+00> : vector<1040x256xf32>
    %dot_general3A_106 = tpu.matmul %get3A_101, %get3A_104, %dot_general3A_105 {dimension_numbers = #tpu.dot_dimension_numbers<[1], [0], [0], [1], [0, 0, 1, 1], [], []>, transpose_lhs_hint = false} : vector<1040x8xf32>, vector<8x256xf32>, vector<1040x256xf32> -> vector<1040x256xf32>
    %get3A_107 = arith.constant 0 : index
    %get3A_108 = arith.constant 0 : index
    %get3A_109 = vector.load %arg2[%get3A_107, %get3A_108] : memref<64x256xf32, #tpu.memory_space<vmem>>, vector<64x256xf32>
    %dot_general3A_110 = arith.constant dense<0.000000e+00> : vector<1040x256xf32>
    %dot_general3A_111 = tpu.matmul %mul3A_96, %get3A_109, %dot_general3A_110 {dimension_numbers = #tpu.dot_dimension_numbers<[1], [0], [0], [1], [0, 0, 1, 1], [], []>, transpose_lhs_hint = false} : vector<1040x64xf32>, vector<64x256xf32>, vector<1040x256xf32> -> vector<1040x256xf32>
    %add3A_112 = arith.addf %dot_general3A_106, %dot_general3A_111 : vector<1040x256xf32>
    %get3A_113 = arith.constant 0 : index
    %get3A_114 = arith.constant 0 : index
    %get3A_115 = vector.load %arg3[%get3A_113, %get3A_114] : memref<1x256xf32, #tpu.memory_space<vmem>>, vector<1x256xf32>
    %add3A_116 = vector.broadcast %get3A_115 : vector<1x256xf32> to vector<1040x256xf32>
    %add3A_117 = arith.addf %add3A_112, %add3A_116 : vector<1040x256xf32>
    %slice3A_118 = vector.extract_strided_slice %add3A_117 {offsets = [0, 0], sizes = [1040, 64], strides = [1, 1]} : vector<1040x256xf32> to vector<1040x64xf32>
    %logistic3A_119 = arith.negf %slice3A_118 : vector<1040x64xf32>
    %logistic3A_120 = math.exp %logistic3A_119 : vector<1040x64xf32>
    %logistic3A_121 = arith.constant 1.000000e+00 : f32
    %logistic3A_122 = vector.broadcast %logistic3A_121 : f32 to vector<1040x64xf32>
    %logistic3A_123 = arith.addf %logistic3A_122, %logistic3A_120 : vector<1040x64xf32>
    %logistic3A_124 = arith.divf %logistic3A_122, %logistic3A_123 : vector<1040x64xf32>
    %slice3A_125 = vector.extract_strided_slice %add3A_117 {offsets = [0, 64], sizes = [1040, 64], strides = [1, 1]} : vector<1040x256xf32> to vector<1040x64xf32>
    %logistic3A_126 = arith.negf %slice3A_125 : vector<1040x64xf32>
    %logistic3A_127 = math.exp %logistic3A_126 : vector<1040x64xf32>
    %logistic3A_128 = arith.constant 1.000000e+00 : f32
    %logistic3A_129 = vector.broadcast %logistic3A_128 : f32 to vector<1040x64xf32>
    %logistic3A_130 = arith.addf %logistic3A_129, %logistic3A_127 : vector<1040x64xf32>
    %logistic3A_131 = arith.divf %logistic3A_129, %logistic3A_130 : vector<1040x64xf32>
    %slice3A_132 = vector.extract_strided_slice %add3A_117 {offsets = [0, 128], sizes = [1040, 64], strides = [1, 1]} : vector<1040x256xf32> to vector<1040x64xf32>
    %tanh3A_133 = math.tanh %slice3A_132 : vector<1040x64xf32>
    %slice3A_134 = vector.extract_strided_slice %add3A_117 {offsets = [0, 192], sizes = [1040, 64], strides = [1, 1]} : vector<1040x256xf32> to vector<1040x64xf32>
    %logistic3A_135 = arith.negf %slice3A_134 : vector<1040x64xf32>
    %logistic3A_136 = math.exp %logistic3A_135 : vector<1040x64xf32>
    %logistic3A_137 = arith.constant 1.000000e+00 : f32
    %logistic3A_138 = vector.broadcast %logistic3A_137 : f32 to vector<1040x64xf32>
    %logistic3A_139 = arith.addf %logistic3A_138, %logistic3A_136 : vector<1040x64xf32>
    %logistic3A_140 = arith.divf %logistic3A_138, %logistic3A_139 : vector<1040x64xf32>
    %mul3A_141 = arith.mulf %logistic3A_131, %add3A_94 : vector<1040x64xf32>
    %mul3A_142 = arith.mulf %logistic3A_124, %tanh3A_133 : vector<1040x64xf32>
    %add3A_143 = arith.addf %mul3A_141, %mul3A_142 : vector<1040x64xf32>
    %tanh3A_144 = math.tanh %add3A_143 : vector<1040x64xf32>
    %mul3A_145 = arith.mulf %logistic3A_140, %tanh3A_144 : vector<1040x64xf32>
    %get3A_146 = arith.constant 3 : index
    %get3A_147 = arith.constant 0 : index
    %get3A_148 = arith.constant 0 : index
    %get3A_149 = vector.load %arg0[%get3A_146, %get3A_147, %get3A_148] : memref<12x1040x8xf32, #tpu.memory_space<vmem>>, vector<1x1040x8xf32>
    %get3A_150 = vector.shape_cast %get3A_149 : vector<1x1040x8xf32> to vector<1040x8xf32>
    %get3A_151 = arith.constant 0 : index
    %get3A_152 = arith.constant 0 : index
    %get3A_153 = vector.load %arg1[%get3A_151, %get3A_152] : memref<8x256xf32, #tpu.memory_space<vmem>>, vector<8x256xf32>
    %dot_general3A_154 = arith.constant dense<0.000000e+00> : vector<1040x256xf32>
    %dot_general3A_155 = tpu.matmul %get3A_150, %get3A_153, %dot_general3A_154 {dimension_numbers = #tpu.dot_dimension_numbers<[1], [0], [0], [1], [0, 0, 1, 1], [], []>, transpose_lhs_hint = false} : vector<1040x8xf32>, vector<8x256xf32>, vector<1040x256xf32> -> vector<1040x256xf32>
    %get3A_156 = arith.constant 0 : index
    %get3A_157 = arith.constant 0 : index
    %get3A_158 = vector.load %arg2[%get3A_156, %get3A_157] : memref<64x256xf32, #tpu.memory_space<vmem>>, vector<64x256xf32>
    %dot_general3A_159 = arith.constant dense<0.000000e+00> : vector<1040x256xf32>
    %dot_general3A_160 = tpu.matmul %mul3A_145, %get3A_158, %dot_general3A_159 {dimension_numbers = #tpu.dot_dimension_numbers<[1], [0], [0], [1], [0, 0, 1, 1], [], []>, transpose_lhs_hint = false} : vector<1040x64xf32>, vector<64x256xf32>, vector<1040x256xf32> -> vector<1040x256xf32>
    %add3A_161 = arith.addf %dot_general3A_155, %dot_general3A_160 : vector<1040x256xf32>
    %get3A_162 = arith.constant 0 : index
    %get3A_163 = arith.constant 0 : index
    %get3A_164 = vector.load %arg3[%get3A_162, %get3A_163] : memref<1x256xf32, #tpu.memory_space<vmem>>, vector<1x256xf32>
    %add3A_165 = vector.broadcast %get3A_164 : vector<1x256xf32> to vector<1040x256xf32>
    %add3A_166 = arith.addf %add3A_161, %add3A_165 : vector<1040x256xf32>
    %slice3A_167 = vector.extract_strided_slice %add3A_166 {offsets = [0, 0], sizes = [1040, 64], strides = [1, 1]} : vector<1040x256xf32> to vector<1040x64xf32>
    %logistic3A_168 = arith.negf %slice3A_167 : vector<1040x64xf32>
    %logistic3A_169 = math.exp %logistic3A_168 : vector<1040x64xf32>
    %logistic3A_170 = arith.constant 1.000000e+00 : f32
    %logistic3A_171 = vector.broadcast %logistic3A_170 : f32 to vector<1040x64xf32>
    %logistic3A_172 = arith.addf %logistic3A_171, %logistic3A_169 : vector<1040x64xf32>
    %logistic3A_173 = arith.divf %logistic3A_171, %logistic3A_172 : vector<1040x64xf32>
    %slice3A_174 = vector.extract_strided_slice %add3A_166 {offsets = [0, 64], sizes = [1040, 64], strides = [1, 1]} : vector<1040x256xf32> to vector<1040x64xf32>
    %logistic3A_175 = arith.negf %slice3A_174 : vector<1040x64xf32>
    %logistic3A_176 = math.exp %logistic3A_175 : vector<1040x64xf32>
    %logistic3A_177 = arith.constant 1.000000e+00 : f32
    %logistic3A_178 = vector.broadcast %logistic3A_177 : f32 to vector<1040x64xf32>
    %logistic3A_179 = arith.addf %logistic3A_178, %logistic3A_176 : vector<1040x64xf32>
    %logistic3A_180 = arith.divf %logistic3A_178, %logistic3A_179 : vector<1040x64xf32>
    %slice3A_181 = vector.extract_strided_slice %add3A_166 {offsets = [0, 128], sizes = [1040, 64], strides = [1, 1]} : vector<1040x256xf32> to vector<1040x64xf32>
    %tanh3A_182 = math.tanh %slice3A_181 : vector<1040x64xf32>
    %slice3A_183 = vector.extract_strided_slice %add3A_166 {offsets = [0, 192], sizes = [1040, 64], strides = [1, 1]} : vector<1040x256xf32> to vector<1040x64xf32>
    %logistic3A_184 = arith.negf %slice3A_183 : vector<1040x64xf32>
    %logistic3A_185 = math.exp %logistic3A_184 : vector<1040x64xf32>
    %logistic3A_186 = arith.constant 1.000000e+00 : f32
    %logistic3A_187 = vector.broadcast %logistic3A_186 : f32 to vector<1040x64xf32>
    %logistic3A_188 = arith.addf %logistic3A_187, %logistic3A_185 : vector<1040x64xf32>
    %logistic3A_189 = arith.divf %logistic3A_187, %logistic3A_188 : vector<1040x64xf32>
    %mul3A_190 = arith.mulf %logistic3A_180, %add3A_143 : vector<1040x64xf32>
    %mul3A_191 = arith.mulf %logistic3A_173, %tanh3A_182 : vector<1040x64xf32>
    %add3A_192 = arith.addf %mul3A_190, %mul3A_191 : vector<1040x64xf32>
    %tanh3A_193 = math.tanh %add3A_192 : vector<1040x64xf32>
    %mul3A_194 = arith.mulf %logistic3A_189, %tanh3A_193 : vector<1040x64xf32>
    %get3A_195 = arith.constant 4 : index
    %get3A_196 = arith.constant 0 : index
    %get3A_197 = arith.constant 0 : index
    %get3A_198 = vector.load %arg0[%get3A_195, %get3A_196, %get3A_197] : memref<12x1040x8xf32, #tpu.memory_space<vmem>>, vector<1x1040x8xf32>
    %get3A_199 = vector.shape_cast %get3A_198 : vector<1x1040x8xf32> to vector<1040x8xf32>
    %get3A_200 = arith.constant 0 : index
    %get3A_201 = arith.constant 0 : index
    %get3A_202 = vector.load %arg1[%get3A_200, %get3A_201] : memref<8x256xf32, #tpu.memory_space<vmem>>, vector<8x256xf32>
    %dot_general3A_203 = arith.constant dense<0.000000e+00> : vector<1040x256xf32>
    %dot_general3A_204 = tpu.matmul %get3A_199, %get3A_202, %dot_general3A_203 {dimension_numbers = #tpu.dot_dimension_numbers<[1], [0], [0], [1], [0, 0, 1, 1], [], []>, transpose_lhs_hint = false} : vector<1040x8xf32>, vector<8x256xf32>, vector<1040x256xf32> -> vector<1040x256xf32>
    %get3A_205 = arith.constant 0 : index
    %get3A_206 = arith.constant 0 : index
    %get3A_207 = vector.load %arg2[%get3A_205, %get3A_206] : memref<64x256xf32, #tpu.memory_space<vmem>>, vector<64x256xf32>
    %dot_general3A_208 = arith.constant dense<0.000000e+00> : vector<1040x256xf32>
    %dot_general3A_209 = tpu.matmul %mul3A_194, %get3A_207, %dot_general3A_208 {dimension_numbers = #tpu.dot_dimension_numbers<[1], [0], [0], [1], [0, 0, 1, 1], [], []>, transpose_lhs_hint = false} : vector<1040x64xf32>, vector<64x256xf32>, vector<1040x256xf32> -> vector<1040x256xf32>
    %add3A_210 = arith.addf %dot_general3A_204, %dot_general3A_209 : vector<1040x256xf32>
    %get3A_211 = arith.constant 0 : index
    %get3A_212 = arith.constant 0 : index
    %get3A_213 = vector.load %arg3[%get3A_211, %get3A_212] : memref<1x256xf32, #tpu.memory_space<vmem>>, vector<1x256xf32>
    %add3A_214 = vector.broadcast %get3A_213 : vector<1x256xf32> to vector<1040x256xf32>
    %add3A_215 = arith.addf %add3A_210, %add3A_214 : vector<1040x256xf32>
    %slice3A_216 = vector.extract_strided_slice %add3A_215 {offsets = [0, 0], sizes = [1040, 64], strides = [1, 1]} : vector<1040x256xf32> to vector<1040x64xf32>
    %logistic3A_217 = arith.negf %slice3A_216 : vector<1040x64xf32>
    %logistic3A_218 = math.exp %logistic3A_217 : vector<1040x64xf32>
    %logistic3A_219 = arith.constant 1.000000e+00 : f32
    %logistic3A_220 = vector.broadcast %logistic3A_219 : f32 to vector<1040x64xf32>
    %logistic3A_221 = arith.addf %logistic3A_220, %logistic3A_218 : vector<1040x64xf32>
    %logistic3A_222 = arith.divf %logistic3A_220, %logistic3A_221 : vector<1040x64xf32>
    %slice3A_223 = vector.extract_strided_slice %add3A_215 {offsets = [0, 64], sizes = [1040, 64], strides = [1, 1]} : vector<1040x256xf32> to vector<1040x64xf32>
    %logistic3A_224 = arith.negf %slice3A_223 : vector<1040x64xf32>
    %logistic3A_225 = math.exp %logistic3A_224 : vector<1040x64xf32>
    %logistic3A_226 = arith.constant 1.000000e+00 : f32
    %logistic3A_227 = vector.broadcast %logistic3A_226 : f32 to vector<1040x64xf32>
    %logistic3A_228 = arith.addf %logistic3A_227, %logistic3A_225 : vector<1040x64xf32>
    %logistic3A_229 = arith.divf %logistic3A_227, %logistic3A_228 : vector<1040x64xf32>
    %slice3A_230 = vector.extract_strided_slice %add3A_215 {offsets = [0, 128], sizes = [1040, 64], strides = [1, 1]} : vector<1040x256xf32> to vector<1040x64xf32>
    %tanh3A_231 = math.tanh %slice3A_230 : vector<1040x64xf32>
    %slice3A_232 = vector.extract_strided_slice %add3A_215 {offsets = [0, 192], sizes = [1040, 64], strides = [1, 1]} : vector<1040x256xf32> to vector<1040x64xf32>
    %logistic3A_233 = arith.negf %slice3A_232 : vector<1040x64xf32>
    %logistic3A_234 = math.exp %logistic3A_233 : vector<1040x64xf32>
    %logistic3A_235 = arith.constant 1.000000e+00 : f32
    %logistic3A_236 = vector.broadcast %logistic3A_235 : f32 to vector<1040x64xf32>
    %logistic3A_237 = arith.addf %logistic3A_236, %logistic3A_234 : vector<1040x64xf32>
    %logistic3A_238 = arith.divf %logistic3A_236, %logistic3A_237 : vector<1040x64xf32>
    %mul3A_239 = arith.mulf %logistic3A_229, %add3A_192 : vector<1040x64xf32>
    %mul3A_240 = arith.mulf %logistic3A_222, %tanh3A_231 : vector<1040x64xf32>
    %add3A_241 = arith.addf %mul3A_239, %mul3A_240 : vector<1040x64xf32>
    %tanh3A_242 = math.tanh %add3A_241 : vector<1040x64xf32>
    %mul3A_243 = arith.mulf %logistic3A_238, %tanh3A_242 : vector<1040x64xf32>
    %get3A_244 = arith.constant 5 : index
    %get3A_245 = arith.constant 0 : index
    %get3A_246 = arith.constant 0 : index
    %get3A_247 = vector.load %arg0[%get3A_244, %get3A_245, %get3A_246] : memref<12x1040x8xf32, #tpu.memory_space<vmem>>, vector<1x1040x8xf32>
    %get3A_248 = vector.shape_cast %get3A_247 : vector<1x1040x8xf32> to vector<1040x8xf32>
    %get3A_249 = arith.constant 0 : index
    %get3A_250 = arith.constant 0 : index
    %get3A_251 = vector.load %arg1[%get3A_249, %get3A_250] : memref<8x256xf32, #tpu.memory_space<vmem>>, vector<8x256xf32>
    %dot_general3A_252 = arith.constant dense<0.000000e+00> : vector<1040x256xf32>
    %dot_general3A_253 = tpu.matmul %get3A_248, %get3A_251, %dot_general3A_252 {dimension_numbers = #tpu.dot_dimension_numbers<[1], [0], [0], [1], [0, 0, 1, 1], [], []>, transpose_lhs_hint = false} : vector<1040x8xf32>, vector<8x256xf32>, vector<1040x256xf32> -> vector<1040x256xf32>
    %get3A_254 = arith.constant 0 : index
    %get3A_255 = arith.constant 0 : index
    %get3A_256 = vector.load %arg2[%get3A_254, %get3A_255] : memref<64x256xf32, #tpu.memory_space<vmem>>, vector<64x256xf32>
    %dot_general3A_257 = arith.constant dense<0.000000e+00> : vector<1040x256xf32>
    %dot_general3A_258 = tpu.matmul %mul3A_243, %get3A_256, %dot_general3A_257 {dimension_numbers = #tpu.dot_dimension_numbers<[1], [0], [0], [1], [0, 0, 1, 1], [], []>, transpose_lhs_hint = false} : vector<1040x64xf32>, vector<64x256xf32>, vector<1040x256xf32> -> vector<1040x256xf32>
    %add3A_259 = arith.addf %dot_general3A_253, %dot_general3A_258 : vector<1040x256xf32>
    %get3A_260 = arith.constant 0 : index
    %get3A_261 = arith.constant 0 : index
    %get3A_262 = vector.load %arg3[%get3A_260, %get3A_261] : memref<1x256xf32, #tpu.memory_space<vmem>>, vector<1x256xf32>
    %add3A_263 = vector.broadcast %get3A_262 : vector<1x256xf32> to vector<1040x256xf32>
    %add3A_264 = arith.addf %add3A_259, %add3A_263 : vector<1040x256xf32>
    %slice3A_265 = vector.extract_strided_slice %add3A_264 {offsets = [0, 0], sizes = [1040, 64], strides = [1, 1]} : vector<1040x256xf32> to vector<1040x64xf32>
    %logistic3A_266 = arith.negf %slice3A_265 : vector<1040x64xf32>
    %logistic3A_267 = math.exp %logistic3A_266 : vector<1040x64xf32>
    %logistic3A_268 = arith.constant 1.000000e+00 : f32
    %logistic3A_269 = vector.broadcast %logistic3A_268 : f32 to vector<1040x64xf32>
    %logistic3A_270 = arith.addf %logistic3A_269, %logistic3A_267 : vector<1040x64xf32>
    %logistic3A_271 = arith.divf %logistic3A_269, %logistic3A_270 : vector<1040x64xf32>
    %slice3A_272 = vector.extract_strided_slice %add3A_264 {offsets = [0, 64], sizes = [1040, 64], strides = [1, 1]} : vector<1040x256xf32> to vector<1040x64xf32>
    %logistic3A_273 = arith.negf %slice3A_272 : vector<1040x64xf32>
    %logistic3A_274 = math.exp %logistic3A_273 : vector<1040x64xf32>
    %logistic3A_275 = arith.constant 1.000000e+00 : f32
    %logistic3A_276 = vector.broadcast %logistic3A_275 : f32 to vector<1040x64xf32>
    %logistic3A_277 = arith.addf %logistic3A_276, %logistic3A_274 : vector<1040x64xf32>
    %logistic3A_278 = arith.divf %logistic3A_276, %logistic3A_277 : vector<1040x64xf32>
    %slice3A_279 = vector.extract_strided_slice %add3A_264 {offsets = [0, 128], sizes = [1040, 64], strides = [1, 1]} : vector<1040x256xf32> to vector<1040x64xf32>
    %tanh3A_280 = math.tanh %slice3A_279 : vector<1040x64xf32>
    %slice3A_281 = vector.extract_strided_slice %add3A_264 {offsets = [0, 192], sizes = [1040, 64], strides = [1, 1]} : vector<1040x256xf32> to vector<1040x64xf32>
    %logistic3A_282 = arith.negf %slice3A_281 : vector<1040x64xf32>
    %logistic3A_283 = math.exp %logistic3A_282 : vector<1040x64xf32>
    %logistic3A_284 = arith.constant 1.000000e+00 : f32
    %logistic3A_285 = vector.broadcast %logistic3A_284 : f32 to vector<1040x64xf32>
    %logistic3A_286 = arith.addf %logistic3A_285, %logistic3A_283 : vector<1040x64xf32>
    %logistic3A_287 = arith.divf %logistic3A_285, %logistic3A_286 : vector<1040x64xf32>
    %mul3A_288 = arith.mulf %logistic3A_278, %add3A_241 : vector<1040x64xf32>
    %mul3A_289 = arith.mulf %logistic3A_271, %tanh3A_280 : vector<1040x64xf32>
    %add3A_290 = arith.addf %mul3A_288, %mul3A_289 : vector<1040x64xf32>
    %tanh3A_291 = math.tanh %add3A_290 : vector<1040x64xf32>
    %mul3A_292 = arith.mulf %logistic3A_287, %tanh3A_291 : vector<1040x64xf32>
    %get3A_293 = arith.constant 6 : index
    %get3A_294 = arith.constant 0 : index
    %get3A_295 = arith.constant 0 : index
    %get3A_296 = vector.load %arg0[%get3A_293, %get3A_294, %get3A_295] : memref<12x1040x8xf32, #tpu.memory_space<vmem>>, vector<1x1040x8xf32>
    %get3A_297 = vector.shape_cast %get3A_296 : vector<1x1040x8xf32> to vector<1040x8xf32>
    %get3A_298 = arith.constant 0 : index
    %get3A_299 = arith.constant 0 : index
    %get3A_300 = vector.load %arg1[%get3A_298, %get3A_299] : memref<8x256xf32, #tpu.memory_space<vmem>>, vector<8x256xf32>
    %dot_general3A_301 = arith.constant dense<0.000000e+00> : vector<1040x256xf32>
    %dot_general3A_302 = tpu.matmul %get3A_297, %get3A_300, %dot_general3A_301 {dimension_numbers = #tpu.dot_dimension_numbers<[1], [0], [0], [1], [0, 0, 1, 1], [], []>, transpose_lhs_hint = false} : vector<1040x8xf32>, vector<8x256xf32>, vector<1040x256xf32> -> vector<1040x256xf32>
    %get3A_303 = arith.constant 0 : index
    %get3A_304 = arith.constant 0 : index
    %get3A_305 = vector.load %arg2[%get3A_303, %get3A_304] : memref<64x256xf32, #tpu.memory_space<vmem>>, vector<64x256xf32>
    %dot_general3A_306 = arith.constant dense<0.000000e+00> : vector<1040x256xf32>
    %dot_general3A_307 = tpu.matmul %mul3A_292, %get3A_305, %dot_general3A_306 {dimension_numbers = #tpu.dot_dimension_numbers<[1], [0], [0], [1], [0, 0, 1, 1], [], []>, transpose_lhs_hint = false} : vector<1040x64xf32>, vector<64x256xf32>, vector<1040x256xf32> -> vector<1040x256xf32>
    %add3A_308 = arith.addf %dot_general3A_302, %dot_general3A_307 : vector<1040x256xf32>
    %get3A_309 = arith.constant 0 : index
    %get3A_310 = arith.constant 0 : index
    %get3A_311 = vector.load %arg3[%get3A_309, %get3A_310] : memref<1x256xf32, #tpu.memory_space<vmem>>, vector<1x256xf32>
    %add3A_312 = vector.broadcast %get3A_311 : vector<1x256xf32> to vector<1040x256xf32>
    %add3A_313 = arith.addf %add3A_308, %add3A_312 : vector<1040x256xf32>
    %slice3A_314 = vector.extract_strided_slice %add3A_313 {offsets = [0, 0], sizes = [1040, 64], strides = [1, 1]} : vector<1040x256xf32> to vector<1040x64xf32>
    %logistic3A_315 = arith.negf %slice3A_314 : vector<1040x64xf32>
    %logistic3A_316 = math.exp %logistic3A_315 : vector<1040x64xf32>
    %logistic3A_317 = arith.constant 1.000000e+00 : f32
    %logistic3A_318 = vector.broadcast %logistic3A_317 : f32 to vector<1040x64xf32>
    %logistic3A_319 = arith.addf %logistic3A_318, %logistic3A_316 : vector<1040x64xf32>
    %logistic3A_320 = arith.divf %logistic3A_318, %logistic3A_319 : vector<1040x64xf32>
    %slice3A_321 = vector.extract_strided_slice %add3A_313 {offsets = [0, 64], sizes = [1040, 64], strides = [1, 1]} : vector<1040x256xf32> to vector<1040x64xf32>
    %logistic3A_322 = arith.negf %slice3A_321 : vector<1040x64xf32>
    %logistic3A_323 = math.exp %logistic3A_322 : vector<1040x64xf32>
    %logistic3A_324 = arith.constant 1.000000e+00 : f32
    %logistic3A_325 = vector.broadcast %logistic3A_324 : f32 to vector<1040x64xf32>
    %logistic3A_326 = arith.addf %logistic3A_325, %logistic3A_323 : vector<1040x64xf32>
    %logistic3A_327 = arith.divf %logistic3A_325, %logistic3A_326 : vector<1040x64xf32>
    %slice3A_328 = vector.extract_strided_slice %add3A_313 {offsets = [0, 128], sizes = [1040, 64], strides = [1, 1]} : vector<1040x256xf32> to vector<1040x64xf32>
    %tanh3A_329 = math.tanh %slice3A_328 : vector<1040x64xf32>
    %slice3A_330 = vector.extract_strided_slice %add3A_313 {offsets = [0, 192], sizes = [1040, 64], strides = [1, 1]} : vector<1040x256xf32> to vector<1040x64xf32>
    %logistic3A_331 = arith.negf %slice3A_330 : vector<1040x64xf32>
    %logistic3A_332 = math.exp %logistic3A_331 : vector<1040x64xf32>
    %logistic3A_333 = arith.constant 1.000000e+00 : f32
    %logistic3A_334 = vector.broadcast %logistic3A_333 : f32 to vector<1040x64xf32>
    %logistic3A_335 = arith.addf %logistic3A_334, %logistic3A_332 : vector<1040x64xf32>
    %logistic3A_336 = arith.divf %logistic3A_334, %logistic3A_335 : vector<1040x64xf32>
    %mul3A_337 = arith.mulf %logistic3A_327, %add3A_290 : vector<1040x64xf32>
    %mul3A_338 = arith.mulf %logistic3A_320, %tanh3A_329 : vector<1040x64xf32>
    %add3A_339 = arith.addf %mul3A_337, %mul3A_338 : vector<1040x64xf32>
    %tanh3A_340 = math.tanh %add3A_339 : vector<1040x64xf32>
    %mul3A_341 = arith.mulf %logistic3A_336, %tanh3A_340 : vector<1040x64xf32>
    %get3A_342 = arith.constant 7 : index
    %get3A_343 = arith.constant 0 : index
    %get3A_344 = arith.constant 0 : index
    %get3A_345 = vector.load %arg0[%get3A_342, %get3A_343, %get3A_344] : memref<12x1040x8xf32, #tpu.memory_space<vmem>>, vector<1x1040x8xf32>
    %get3A_346 = vector.shape_cast %get3A_345 : vector<1x1040x8xf32> to vector<1040x8xf32>
    %get3A_347 = arith.constant 0 : index
    %get3A_348 = arith.constant 0 : index
    %get3A_349 = vector.load %arg1[%get3A_347, %get3A_348] : memref<8x256xf32, #tpu.memory_space<vmem>>, vector<8x256xf32>
    %dot_general3A_350 = arith.constant dense<0.000000e+00> : vector<1040x256xf32>
    %dot_general3A_351 = tpu.matmul %get3A_346, %get3A_349, %dot_general3A_350 {dimension_numbers = #tpu.dot_dimension_numbers<[1], [0], [0], [1], [0, 0, 1, 1], [], []>, transpose_lhs_hint = false} : vector<1040x8xf32>, vector<8x256xf32>, vector<1040x256xf32> -> vector<1040x256xf32>
    %get3A_352 = arith.constant 0 : index
    %get3A_353 = arith.constant 0 : index
    %get3A_354 = vector.load %arg2[%get3A_352, %get3A_353] : memref<64x256xf32, #tpu.memory_space<vmem>>, vector<64x256xf32>
    %dot_general3A_355 = arith.constant dense<0.000000e+00> : vector<1040x256xf32>
    %dot_general3A_356 = tpu.matmul %mul3A_341, %get3A_354, %dot_general3A_355 {dimension_numbers = #tpu.dot_dimension_numbers<[1], [0], [0], [1], [0, 0, 1, 1], [], []>, transpose_lhs_hint = false} : vector<1040x64xf32>, vector<64x256xf32>, vector<1040x256xf32> -> vector<1040x256xf32>
    %add3A_357 = arith.addf %dot_general3A_351, %dot_general3A_356 : vector<1040x256xf32>
    %get3A_358 = arith.constant 0 : index
    %get3A_359 = arith.constant 0 : index
    %get3A_360 = vector.load %arg3[%get3A_358, %get3A_359] : memref<1x256xf32, #tpu.memory_space<vmem>>, vector<1x256xf32>
    %add3A_361 = vector.broadcast %get3A_360 : vector<1x256xf32> to vector<1040x256xf32>
    %add3A_362 = arith.addf %add3A_357, %add3A_361 : vector<1040x256xf32>
    %slice3A_363 = vector.extract_strided_slice %add3A_362 {offsets = [0, 0], sizes = [1040, 64], strides = [1, 1]} : vector<1040x256xf32> to vector<1040x64xf32>
    %logistic3A_364 = arith.negf %slice3A_363 : vector<1040x64xf32>
    %logistic3A_365 = math.exp %logistic3A_364 : vector<1040x64xf32>
    %logistic3A_366 = arith.constant 1.000000e+00 : f32
    %logistic3A_367 = vector.broadcast %logistic3A_366 : f32 to vector<1040x64xf32>
    %logistic3A_368 = arith.addf %logistic3A_367, %logistic3A_365 : vector<1040x64xf32>
    %logistic3A_369 = arith.divf %logistic3A_367, %logistic3A_368 : vector<1040x64xf32>
    %slice3A_370 = vector.extract_strided_slice %add3A_362 {offsets = [0, 64], sizes = [1040, 64], strides = [1, 1]} : vector<1040x256xf32> to vector<1040x64xf32>
    %logistic3A_371 = arith.negf %slice3A_370 : vector<1040x64xf32>
    %logistic3A_372 = math.exp %logistic3A_371 : vector<1040x64xf32>
    %logistic3A_373 = arith.constant 1.000000e+00 : f32
    %logistic3A_374 = vector.broadcast %logistic3A_373 : f32 to vector<1040x64xf32>
    %logistic3A_375 = arith.addf %logistic3A_374, %logistic3A_372 : vector<1040x64xf32>
    %logistic3A_376 = arith.divf %logistic3A_374, %logistic3A_375 : vector<1040x64xf32>
    %slice3A_377 = vector.extract_strided_slice %add3A_362 {offsets = [0, 128], sizes = [1040, 64], strides = [1, 1]} : vector<1040x256xf32> to vector<1040x64xf32>
    %tanh3A_378 = math.tanh %slice3A_377 : vector<1040x64xf32>
    %slice3A_379 = vector.extract_strided_slice %add3A_362 {offsets = [0, 192], sizes = [1040, 64], strides = [1, 1]} : vector<1040x256xf32> to vector<1040x64xf32>
    %logistic3A_380 = arith.negf %slice3A_379 : vector<1040x64xf32>
    %logistic3A_381 = math.exp %logistic3A_380 : vector<1040x64xf32>
    %logistic3A_382 = arith.constant 1.000000e+00 : f32
    %logistic3A_383 = vector.broadcast %logistic3A_382 : f32 to vector<1040x64xf32>
    %logistic3A_384 = arith.addf %logistic3A_383, %logistic3A_381 : vector<1040x64xf32>
    %logistic3A_385 = arith.divf %logistic3A_383, %logistic3A_384 : vector<1040x64xf32>
    %mul3A_386 = arith.mulf %logistic3A_376, %add3A_339 : vector<1040x64xf32>
    %mul3A_387 = arith.mulf %logistic3A_369, %tanh3A_378 : vector<1040x64xf32>
    %add3A_388 = arith.addf %mul3A_386, %mul3A_387 : vector<1040x64xf32>
    %tanh3A_389 = math.tanh %add3A_388 : vector<1040x64xf32>
    %mul3A_390 = arith.mulf %logistic3A_385, %tanh3A_389 : vector<1040x64xf32>
    %get3A_391 = arith.constant 8 : index
    %get3A_392 = arith.constant 0 : index
    %get3A_393 = arith.constant 0 : index
    %get3A_394 = vector.load %arg0[%get3A_391, %get3A_392, %get3A_393] : memref<12x1040x8xf32, #tpu.memory_space<vmem>>, vector<1x1040x8xf32>
    %get3A_395 = vector.shape_cast %get3A_394 : vector<1x1040x8xf32> to vector<1040x8xf32>
    %get3A_396 = arith.constant 0 : index
    %get3A_397 = arith.constant 0 : index
    %get3A_398 = vector.load %arg1[%get3A_396, %get3A_397] : memref<8x256xf32, #tpu.memory_space<vmem>>, vector<8x256xf32>
    %dot_general3A_399 = arith.constant dense<0.000000e+00> : vector<1040x256xf32>
    %dot_general3A_400 = tpu.matmul %get3A_395, %get3A_398, %dot_general3A_399 {dimension_numbers = #tpu.dot_dimension_numbers<[1], [0], [0], [1], [0, 0, 1, 1], [], []>, transpose_lhs_hint = false} : vector<1040x8xf32>, vector<8x256xf32>, vector<1040x256xf32> -> vector<1040x256xf32>
    %get3A_401 = arith.constant 0 : index
    %get3A_402 = arith.constant 0 : index
    %get3A_403 = vector.load %arg2[%get3A_401, %get3A_402] : memref<64x256xf32, #tpu.memory_space<vmem>>, vector<64x256xf32>
    %dot_general3A_404 = arith.constant dense<0.000000e+00> : vector<1040x256xf32>
    %dot_general3A_405 = tpu.matmul %mul3A_390, %get3A_403, %dot_general3A_404 {dimension_numbers = #tpu.dot_dimension_numbers<[1], [0], [0], [1], [0, 0, 1, 1], [], []>, transpose_lhs_hint = false} : vector<1040x64xf32>, vector<64x256xf32>, vector<1040x256xf32> -> vector<1040x256xf32>
    %add3A_406 = arith.addf %dot_general3A_400, %dot_general3A_405 : vector<1040x256xf32>
    %get3A_407 = arith.constant 0 : index
    %get3A_408 = arith.constant 0 : index
    %get3A_409 = vector.load %arg3[%get3A_407, %get3A_408] : memref<1x256xf32, #tpu.memory_space<vmem>>, vector<1x256xf32>
    %add3A_410 = vector.broadcast %get3A_409 : vector<1x256xf32> to vector<1040x256xf32>
    %add3A_411 = arith.addf %add3A_406, %add3A_410 : vector<1040x256xf32>
    %slice3A_412 = vector.extract_strided_slice %add3A_411 {offsets = [0, 0], sizes = [1040, 64], strides = [1, 1]} : vector<1040x256xf32> to vector<1040x64xf32>
    %logistic3A_413 = arith.negf %slice3A_412 : vector<1040x64xf32>
    %logistic3A_414 = math.exp %logistic3A_413 : vector<1040x64xf32>
    %logistic3A_415 = arith.constant 1.000000e+00 : f32
    %logistic3A_416 = vector.broadcast %logistic3A_415 : f32 to vector<1040x64xf32>
    %logistic3A_417 = arith.addf %logistic3A_416, %logistic3A_414 : vector<1040x64xf32>
    %logistic3A_418 = arith.divf %logistic3A_416, %logistic3A_417 : vector<1040x64xf32>
    %slice3A_419 = vector.extract_strided_slice %add3A_411 {offsets = [0, 64], sizes = [1040, 64], strides = [1, 1]} : vector<1040x256xf32> to vector<1040x64xf32>
    %logistic3A_420 = arith.negf %slice3A_419 : vector<1040x64xf32>
    %logistic3A_421 = math.exp %logistic3A_420 : vector<1040x64xf32>
    %logistic3A_422 = arith.constant 1.000000e+00 : f32
    %logistic3A_423 = vector.broadcast %logistic3A_422 : f32 to vector<1040x64xf32>
    %logistic3A_424 = arith.addf %logistic3A_423, %logistic3A_421 : vector<1040x64xf32>
    %logistic3A_425 = arith.divf %logistic3A_423, %logistic3A_424 : vector<1040x64xf32>
    %slice3A_426 = vector.extract_strided_slice %add3A_411 {offsets = [0, 128], sizes = [1040, 64], strides = [1, 1]} : vector<1040x256xf32> to vector<1040x64xf32>
    %tanh3A_427 = math.tanh %slice3A_426 : vector<1040x64xf32>
    %slice3A_428 = vector.extract_strided_slice %add3A_411 {offsets = [0, 192], sizes = [1040, 64], strides = [1, 1]} : vector<1040x256xf32> to vector<1040x64xf32>
    %logistic3A_429 = arith.negf %slice3A_428 : vector<1040x64xf32>
    %logistic3A_430 = math.exp %logistic3A_429 : vector<1040x64xf32>
    %logistic3A_431 = arith.constant 1.000000e+00 : f32
    %logistic3A_432 = vector.broadcast %logistic3A_431 : f32 to vector<1040x64xf32>
    %logistic3A_433 = arith.addf %logistic3A_432, %logistic3A_430 : vector<1040x64xf32>
    %logistic3A_434 = arith.divf %logistic3A_432, %logistic3A_433 : vector<1040x64xf32>
    %mul3A_435 = arith.mulf %logistic3A_425, %add3A_388 : vector<1040x64xf32>
    %mul3A_436 = arith.mulf %logistic3A_418, %tanh3A_427 : vector<1040x64xf32>
    %add3A_437 = arith.addf %mul3A_435, %mul3A_436 : vector<1040x64xf32>
    %tanh3A_438 = math.tanh %add3A_437 : vector<1040x64xf32>
    %mul3A_439 = arith.mulf %logistic3A_434, %tanh3A_438 : vector<1040x64xf32>
    %get3A_440 = arith.constant 9 : index
    %get3A_441 = arith.constant 0 : index
    %get3A_442 = arith.constant 0 : index
    %get3A_443 = vector.load %arg0[%get3A_440, %get3A_441, %get3A_442] : memref<12x1040x8xf32, #tpu.memory_space<vmem>>, vector<1x1040x8xf32>
    %get3A_444 = vector.shape_cast %get3A_443 : vector<1x1040x8xf32> to vector<1040x8xf32>
    %get3A_445 = arith.constant 0 : index
    %get3A_446 = arith.constant 0 : index
    %get3A_447 = vector.load %arg1[%get3A_445, %get3A_446] : memref<8x256xf32, #tpu.memory_space<vmem>>, vector<8x256xf32>
    %dot_general3A_448 = arith.constant dense<0.000000e+00> : vector<1040x256xf32>
    %dot_general3A_449 = tpu.matmul %get3A_444, %get3A_447, %dot_general3A_448 {dimension_numbers = #tpu.dot_dimension_numbers<[1], [0], [0], [1], [0, 0, 1, 1], [], []>, transpose_lhs_hint = false} : vector<1040x8xf32>, vector<8x256xf32>, vector<1040x256xf32> -> vector<1040x256xf32>
    %get3A_450 = arith.constant 0 : index
    %get3A_451 = arith.constant 0 : index
    %get3A_452 = vector.load %arg2[%get3A_450, %get3A_451] : memref<64x256xf32, #tpu.memory_space<vmem>>, vector<64x256xf32>
    %dot_general3A_453 = arith.constant dense<0.000000e+00> : vector<1040x256xf32>
    %dot_general3A_454 = tpu.matmul %mul3A_439, %get3A_452, %dot_general3A_453 {dimension_numbers = #tpu.dot_dimension_numbers<[1], [0], [0], [1], [0, 0, 1, 1], [], []>, transpose_lhs_hint = false} : vector<1040x64xf32>, vector<64x256xf32>, vector<1040x256xf32> -> vector<1040x256xf32>
    %add3A_455 = arith.addf %dot_general3A_449, %dot_general3A_454 : vector<1040x256xf32>
    %get3A_456 = arith.constant 0 : index
    %get3A_457 = arith.constant 0 : index
    %get3A_458 = vector.load %arg3[%get3A_456, %get3A_457] : memref<1x256xf32, #tpu.memory_space<vmem>>, vector<1x256xf32>
    %add3A_459 = vector.broadcast %get3A_458 : vector<1x256xf32> to vector<1040x256xf32>
    %add3A_460 = arith.addf %add3A_455, %add3A_459 : vector<1040x256xf32>
    %slice3A_461 = vector.extract_strided_slice %add3A_460 {offsets = [0, 0], sizes = [1040, 64], strides = [1, 1]} : vector<1040x256xf32> to vector<1040x64xf32>
    %logistic3A_462 = arith.negf %slice3A_461 : vector<1040x64xf32>
    %logistic3A_463 = math.exp %logistic3A_462 : vector<1040x64xf32>
    %logistic3A_464 = arith.constant 1.000000e+00 : f32
    %logistic3A_465 = vector.broadcast %logistic3A_464 : f32 to vector<1040x64xf32>
    %logistic3A_466 = arith.addf %logistic3A_465, %logistic3A_463 : vector<1040x64xf32>
    %logistic3A_467 = arith.divf %logistic3A_465, %logistic3A_466 : vector<1040x64xf32>
    %slice3A_468 = vector.extract_strided_slice %add3A_460 {offsets = [0, 64], sizes = [1040, 64], strides = [1, 1]} : vector<1040x256xf32> to vector<1040x64xf32>
    %logistic3A_469 = arith.negf %slice3A_468 : vector<1040x64xf32>
    %logistic3A_470 = math.exp %logistic3A_469 : vector<1040x64xf32>
    %logistic3A_471 = arith.constant 1.000000e+00 : f32
    %logistic3A_472 = vector.broadcast %logistic3A_471 : f32 to vector<1040x64xf32>
    %logistic3A_473 = arith.addf %logistic3A_472, %logistic3A_470 : vector<1040x64xf32>
    %logistic3A_474 = arith.divf %logistic3A_472, %logistic3A_473 : vector<1040x64xf32>
    %slice3A_475 = vector.extract_strided_slice %add3A_460 {offsets = [0, 128], sizes = [1040, 64], strides = [1, 1]} : vector<1040x256xf32> to vector<1040x64xf32>
    %tanh3A_476 = math.tanh %slice3A_475 : vector<1040x64xf32>
    %slice3A_477 = vector.extract_strided_slice %add3A_460 {offsets = [0, 192], sizes = [1040, 64], strides = [1, 1]} : vector<1040x256xf32> to vector<1040x64xf32>
    %logistic3A_478 = arith.negf %slice3A_477 : vector<1040x64xf32>
    %logistic3A_479 = math.exp %logistic3A_478 : vector<1040x64xf32>
    %logistic3A_480 = arith.constant 1.000000e+00 : f32
    %logistic3A_481 = vector.broadcast %logistic3A_480 : f32 to vector<1040x64xf32>
    %logistic3A_482 = arith.addf %logistic3A_481, %logistic3A_479 : vector<1040x64xf32>
    %logistic3A_483 = arith.divf %logistic3A_481, %logistic3A_482 : vector<1040x64xf32>
    %mul3A_484 = arith.mulf %logistic3A_474, %add3A_437 : vector<1040x64xf32>
    %mul3A_485 = arith.mulf %logistic3A_467, %tanh3A_476 : vector<1040x64xf32>
    %add3A_486 = arith.addf %mul3A_484, %mul3A_485 : vector<1040x64xf32>
    %tanh3A_487 = math.tanh %add3A_486 : vector<1040x64xf32>
    %mul3A_488 = arith.mulf %logistic3A_483, %tanh3A_487 : vector<1040x64xf32>
    %get3A_489 = arith.constant 10 : index
    %get3A_490 = arith.constant 0 : index
    %get3A_491 = arith.constant 0 : index
    %get3A_492 = vector.load %arg0[%get3A_489, %get3A_490, %get3A_491] : memref<12x1040x8xf32, #tpu.memory_space<vmem>>, vector<1x1040x8xf32>
    %get3A_493 = vector.shape_cast %get3A_492 : vector<1x1040x8xf32> to vector<1040x8xf32>
    %get3A_494 = arith.constant 0 : index
    %get3A_495 = arith.constant 0 : index
    %get3A_496 = vector.load %arg1[%get3A_494, %get3A_495] : memref<8x256xf32, #tpu.memory_space<vmem>>, vector<8x256xf32>
    %dot_general3A_497 = arith.constant dense<0.000000e+00> : vector<1040x256xf32>
    %dot_general3A_498 = tpu.matmul %get3A_493, %get3A_496, %dot_general3A_497 {dimension_numbers = #tpu.dot_dimension_numbers<[1], [0], [0], [1], [0, 0, 1, 1], [], []>, transpose_lhs_hint = false} : vector<1040x8xf32>, vector<8x256xf32>, vector<1040x256xf32> -> vector<1040x256xf32>
    %get3A_499 = arith.constant 0 : index
    %get3A_500 = arith.constant 0 : index
    %get3A_501 = vector.load %arg2[%get3A_499, %get3A_500] : memref<64x256xf32, #tpu.memory_space<vmem>>, vector<64x256xf32>
    %dot_general3A_502 = arith.constant dense<0.000000e+00> : vector<1040x256xf32>
    %dot_general3A_503 = tpu.matmul %mul3A_488, %get3A_501, %dot_general3A_502 {dimension_numbers = #tpu.dot_dimension_numbers<[1], [0], [0], [1], [0, 0, 1, 1], [], []>, transpose_lhs_hint = false} : vector<1040x64xf32>, vector<64x256xf32>, vector<1040x256xf32> -> vector<1040x256xf32>
    %add3A_504 = arith.addf %dot_general3A_498, %dot_general3A_503 : vector<1040x256xf32>
    %get3A_505 = arith.constant 0 : index
    %get3A_506 = arith.constant 0 : index
    %get3A_507 = vector.load %arg3[%get3A_505, %get3A_506] : memref<1x256xf32, #tpu.memory_space<vmem>>, vector<1x256xf32>
    %add3A_508 = vector.broadcast %get3A_507 : vector<1x256xf32> to vector<1040x256xf32>
    %add3A_509 = arith.addf %add3A_504, %add3A_508 : vector<1040x256xf32>
    %slice3A_510 = vector.extract_strided_slice %add3A_509 {offsets = [0, 0], sizes = [1040, 64], strides = [1, 1]} : vector<1040x256xf32> to vector<1040x64xf32>
    %logistic3A_511 = arith.negf %slice3A_510 : vector<1040x64xf32>
    %logistic3A_512 = math.exp %logistic3A_511 : vector<1040x64xf32>
    %logistic3A_513 = arith.constant 1.000000e+00 : f32
    %logistic3A_514 = vector.broadcast %logistic3A_513 : f32 to vector<1040x64xf32>
    %logistic3A_515 = arith.addf %logistic3A_514, %logistic3A_512 : vector<1040x64xf32>
    %logistic3A_516 = arith.divf %logistic3A_514, %logistic3A_515 : vector<1040x64xf32>
    %slice3A_517 = vector.extract_strided_slice %add3A_509 {offsets = [0, 64], sizes = [1040, 64], strides = [1, 1]} : vector<1040x256xf32> to vector<1040x64xf32>
    %logistic3A_518 = arith.negf %slice3A_517 : vector<1040x64xf32>
    %logistic3A_519 = math.exp %logistic3A_518 : vector<1040x64xf32>
    %logistic3A_520 = arith.constant 1.000000e+00 : f32
    %logistic3A_521 = vector.broadcast %logistic3A_520 : f32 to vector<1040x64xf32>
    %logistic3A_522 = arith.addf %logistic3A_521, %logistic3A_519 : vector<1040x64xf32>
    %logistic3A_523 = arith.divf %logistic3A_521, %logistic3A_522 : vector<1040x64xf32>
    %slice3A_524 = vector.extract_strided_slice %add3A_509 {offsets = [0, 128], sizes = [1040, 64], strides = [1, 1]} : vector<1040x256xf32> to vector<1040x64xf32>
    %tanh3A_525 = math.tanh %slice3A_524 : vector<1040x64xf32>
    %slice3A_526 = vector.extract_strided_slice %add3A_509 {offsets = [0, 192], sizes = [1040, 64], strides = [1, 1]} : vector<1040x256xf32> to vector<1040x64xf32>
    %logistic3A_527 = arith.negf %slice3A_526 : vector<1040x64xf32>
    %logistic3A_528 = math.exp %logistic3A_527 : vector<1040x64xf32>
    %logistic3A_529 = arith.constant 1.000000e+00 : f32
    %logistic3A_530 = vector.broadcast %logistic3A_529 : f32 to vector<1040x64xf32>
    %logistic3A_531 = arith.addf %logistic3A_530, %logistic3A_528 : vector<1040x64xf32>
    %logistic3A_532 = arith.divf %logistic3A_530, %logistic3A_531 : vector<1040x64xf32>
    %mul3A_533 = arith.mulf %logistic3A_523, %add3A_486 : vector<1040x64xf32>
    %mul3A_534 = arith.mulf %logistic3A_516, %tanh3A_525 : vector<1040x64xf32>
    %add3A_535 = arith.addf %mul3A_533, %mul3A_534 : vector<1040x64xf32>
    %tanh3A_536 = math.tanh %add3A_535 : vector<1040x64xf32>
    %mul3A_537 = arith.mulf %logistic3A_532, %tanh3A_536 : vector<1040x64xf32>
    %get3A_538 = arith.constant 11 : index
    %get3A_539 = arith.constant 0 : index
    %get3A_540 = arith.constant 0 : index
    %get3A_541 = vector.load %arg0[%get3A_538, %get3A_539, %get3A_540] : memref<12x1040x8xf32, #tpu.memory_space<vmem>>, vector<1x1040x8xf32>
    %get3A_542 = vector.shape_cast %get3A_541 : vector<1x1040x8xf32> to vector<1040x8xf32>
    %get3A_543 = arith.constant 0 : index
    %get3A_544 = arith.constant 0 : index
    %get3A_545 = vector.load %arg1[%get3A_543, %get3A_544] : memref<8x256xf32, #tpu.memory_space<vmem>>, vector<8x256xf32>
    %dot_general3A_546 = arith.constant dense<0.000000e+00> : vector<1040x256xf32>
    %dot_general3A_547 = tpu.matmul %get3A_542, %get3A_545, %dot_general3A_546 {dimension_numbers = #tpu.dot_dimension_numbers<[1], [0], [0], [1], [0, 0, 1, 1], [], []>, transpose_lhs_hint = false} : vector<1040x8xf32>, vector<8x256xf32>, vector<1040x256xf32> -> vector<1040x256xf32>
    %get3A_548 = arith.constant 0 : index
    %get3A_549 = arith.constant 0 : index
    %get3A_550 = vector.load %arg2[%get3A_548, %get3A_549] : memref<64x256xf32, #tpu.memory_space<vmem>>, vector<64x256xf32>
    %dot_general3A_551 = arith.constant dense<0.000000e+00> : vector<1040x256xf32>
    %dot_general3A_552 = tpu.matmul %mul3A_537, %get3A_550, %dot_general3A_551 {dimension_numbers = #tpu.dot_dimension_numbers<[1], [0], [0], [1], [0, 0, 1, 1], [], []>, transpose_lhs_hint = false} : vector<1040x64xf32>, vector<64x256xf32>, vector<1040x256xf32> -> vector<1040x256xf32>
    %add3A_553 = arith.addf %dot_general3A_547, %dot_general3A_552 : vector<1040x256xf32>
    %get3A_554 = arith.constant 0 : index
    %get3A_555 = arith.constant 0 : index
    %get3A_556 = vector.load %arg3[%get3A_554, %get3A_555] : memref<1x256xf32, #tpu.memory_space<vmem>>, vector<1x256xf32>
    %add3A_557 = vector.broadcast %get3A_556 : vector<1x256xf32> to vector<1040x256xf32>
    %add3A_558 = arith.addf %add3A_553, %add3A_557 : vector<1040x256xf32>
    %slice3A_559 = vector.extract_strided_slice %add3A_558 {offsets = [0, 0], sizes = [1040, 64], strides = [1, 1]} : vector<1040x256xf32> to vector<1040x64xf32>
    %logistic3A_560 = arith.negf %slice3A_559 : vector<1040x64xf32>
    %logistic3A_561 = math.exp %logistic3A_560 : vector<1040x64xf32>
    %logistic3A_562 = arith.constant 1.000000e+00 : f32
    %logistic3A_563 = vector.broadcast %logistic3A_562 : f32 to vector<1040x64xf32>
    %logistic3A_564 = arith.addf %logistic3A_563, %logistic3A_561 : vector<1040x64xf32>
    %logistic3A_565 = arith.divf %logistic3A_563, %logistic3A_564 : vector<1040x64xf32>
    %slice3A_566 = vector.extract_strided_slice %add3A_558 {offsets = [0, 64], sizes = [1040, 64], strides = [1, 1]} : vector<1040x256xf32> to vector<1040x64xf32>
    %logistic3A_567 = arith.negf %slice3A_566 : vector<1040x64xf32>
    %logistic3A_568 = math.exp %logistic3A_567 : vector<1040x64xf32>
    %logistic3A_569 = arith.constant 1.000000e+00 : f32
    %logistic3A_570 = vector.broadcast %logistic3A_569 : f32 to vector<1040x64xf32>
    %logistic3A_571 = arith.addf %logistic3A_570, %logistic3A_568 : vector<1040x64xf32>
    %logistic3A_572 = arith.divf %logistic3A_570, %logistic3A_571 : vector<1040x64xf32>
    %slice3A_573 = vector.extract_strided_slice %add3A_558 {offsets = [0, 128], sizes = [1040, 64], strides = [1, 1]} : vector<1040x256xf32> to vector<1040x64xf32>
    %tanh3A_574 = math.tanh %slice3A_573 : vector<1040x64xf32>
    %slice3A_575 = vector.extract_strided_slice %add3A_558 {offsets = [0, 192], sizes = [1040, 64], strides = [1, 1]} : vector<1040x256xf32> to vector<1040x64xf32>
    %logistic3A_576 = arith.negf %slice3A_575 : vector<1040x64xf32>
    %logistic3A_577 = math.exp %logistic3A_576 : vector<1040x64xf32>
    %logistic3A_578 = arith.constant 1.000000e+00 : f32
    %logistic3A_579 = vector.broadcast %logistic3A_578 : f32 to vector<1040x64xf32>
    %logistic3A_580 = arith.addf %logistic3A_579, %logistic3A_577 : vector<1040x64xf32>
    %logistic3A_581 = arith.divf %logistic3A_579, %logistic3A_580 : vector<1040x64xf32>
    %mul3A_582 = arith.mulf %logistic3A_572, %add3A_535 : vector<1040x64xf32>
    %mul3A_583 = arith.mulf %logistic3A_565, %tanh3A_574 : vector<1040x64xf32>
    %add3A_584 = arith.addf %mul3A_582, %mul3A_583 : vector<1040x64xf32>
    %tanh3A_585 = math.tanh %add3A_584 : vector<1040x64xf32>
    %mul3A_586 = arith.mulf %logistic3A_581, %tanh3A_585 : vector<1040x64xf32>
    %get3A_587 = arith.constant 0 : index
    %get3A_588 = arith.constant 0 : index
    %get3A_589 = vector.load %arg4[%get3A_587, %get3A_588] : memref<64x64xf32, #tpu.memory_space<vmem>>, vector<64x64xf32>
    %dot_general3A_590 = arith.constant dense<0.000000e+00> : vector<1040x64xf32>
    %dot_general3A_591 = tpu.matmul %mul3A_586, %get3A_589, %dot_general3A_590 {dimension_numbers = #tpu.dot_dimension_numbers<[1], [0], [0], [1], [0, 0, 1, 1], [], []>, transpose_lhs_hint = false} : vector<1040x64xf32>, vector<64x64xf32>, vector<1040x64xf32> -> vector<1040x64xf32>
    %get3A_592 = arith.constant 0 : index
    %get3A_593 = arith.constant 0 : index
    %get3A_594 = vector.load %arg5[%get3A_592, %get3A_593] : memref<64x1xf32, #tpu.memory_space<vmem>>, vector<64x1xf32>
    %dot_general3A_595 = arith.constant dense<0.000000e+00> : vector<1040x1xf32>
    %dot_general3A_596 = tpu.matmul %dot_general3A_591, %get3A_594, %dot_general3A_595 {dimension_numbers = #tpu.dot_dimension_numbers<[1], [0], [0], [1], [0, 0, 1, 1], [], []>, transpose_lhs_hint = false} : vector<1040x64xf32>, vector<64x1xf32>, vector<1040x1xf32> -> vector<1040x1xf32>
    %get3A_597 = arith.constant 0 : index
    %get3A_598 = arith.constant 0 : index
    %get3A_599 = vector.load %arg6[%get3A_597, %get3A_598] : memref<64x1xf32, #tpu.memory_space<vmem>>, vector<64x1xf32>
    %dot_general3A_600 = arith.constant dense<0.000000e+00> : vector<1040x1xf32>
    %dot_general3A_601 = tpu.matmul %dot_general3A_591, %get3A_599, %dot_general3A_600 {dimension_numbers = #tpu.dot_dimension_numbers<[1], [0], [0], [1], [0, 0, 1, 1], [], []>, transpose_lhs_hint = false} : vector<1040x64xf32>, vector<64x1xf32>, vector<1040x1xf32> -> vector<1040x1xf32>
    %add3A_602 = arith.addf %dot_general3A_596, %dot_general3A_601 : vector<1040x1xf32>
    %ge3A = arith.constant 0.000000e+00 : f32
    %ge3A_603 = vector.broadcast %ge3A : f32 to vector<1040x1xf32>
    %ge3A_604 = arith.cmpf oge, %add3A_602, %ge3A_603 : vector<1040x1xf32>
    %mul3A_605 = arith.constant 2.000000e-01 : f32
    %mul3A_606 = vector.broadcast %mul3A_605 : f32 to vector<1040x1xf32>
    %mul3A_607 = arith.mulf %mul3A_606, %add3A_602 : vector<1040x1xf32>
    %select_n3A = arith.select %ge3A_604, %add3A_602, %mul3A_607 : vector<1040x1xi1>, vector<1040x1xf32>
    %swap3A = arith.constant 0 : index
    %swap3A_608 = arith.constant 0 : index
    %swap3A_609 = vector.load %arg9[%swap3A, %swap3A_608] : memref<1040x80xf32, #tpu.memory_space<vmem>>, vector<1040x64xf32>
    tpu.vector_store %arg9[%swap3A, %swap3A_608], %dot_general3A_591 {strides = array<i32>} : memref<1040x80xf32, #tpu.memory_space<vmem>>, vector<1040x64xf32>,
    %broadcast_in_dim3A = arith.constant 1.000000e+00 : f32
    %broadcast_in_dim3A_610 = vector.broadcast %broadcast_in_dim3A : f32 to vector<1040x1xf32>
    %swap3A_611 = arith.constant 0 : index
    %swap3A_612 = arith.constant 64 : index
    %swap3A_613 = vector.load %arg9[%swap3A_611, %swap3A_612] : memref<1040x80xf32, #tpu.memory_space<vmem>>, vector<1040x1xf32>
    tpu.vector_store %arg9[%swap3A_611, %swap3A_612], %broadcast_in_dim3A_610 {strides = array<i32>} : memref<1040x80xf32, #tpu.memory_space<vmem>>, vector<1040x1xf32>,
    %broadcast_in_dim3A_614 = arith.constant 0.000000e+00 : f32
    %broadcast_in_dim3A_615 = vector.broadcast %broadcast_in_dim3A_614 : f32 to vector<1040x15xf32>
    %swap3A_616 = arith.constant 0 : index
    %swap3A_617 = arith.constant 65 : index
    %swap3A_618 = vector.load %arg9[%swap3A_616, %swap3A_617] : memref<1040x80xf32, #tpu.memory_space<vmem>>, vector<1040x15xf32>
    tpu.vector_store %arg9[%swap3A_616, %swap3A_617], %broadcast_in_dim3A_615 {strides = array<i32>} : memref<1040x80xf32, #tpu.memory_space<vmem>>, vector<1040x15xf32>,
    %swap3A_619 = arith.constant 0 : index
    %swap3A_620 = arith.constant 0 : index
    %swap3A_621 = vector.load %arg10[%swap3A_619, %swap3A_620] : memref<1040x1xf32, #tpu.memory_space<vmem>>, vector<1040x1xf32>
    tpu.vector_store %arg10[%swap3A_619, %swap3A_620], %dot_general3A_596 {strides = array<i32>} : memref<1040x1xf32, #tpu.memory_space<vmem>>, vector<1040x1xf32>,
    %swap3A_622 = arith.constant 0 : index
    %swap3A_623 = arith.constant 0 : index
    %swap3A_624 = vector.load %arg11[%swap3A_622, %swap3A_623] : memref<1040x1xf32, #tpu.memory_space<vmem>>, vector<1040x1xf32>
    tpu.vector_store %arg11[%swap3A_622, %swap3A_623], %dot_general3A_601 {strides = array<i32>} : memref<1040x1xf32, #tpu.memory_space<vmem>>, vector<1040x1xf32>,
    %swap3A_625 = arith.constant 0 : index
    %swap3A_626 = arith.constant 0 : index
    %swap3A_627 = vector.load %arg12[%swap3A_625, %swap3A_626] : memref<1040x1xf32, #tpu.memory_space<vmem>>, vector<1040x1xf32>
    tpu.vector_store %arg12[%swap3A_625, %swap3A_626], %select_n3A {strides = array<i32>} : memref<1040x1xf32, #tpu.memory_space<vmem>>, vector<1040x1xf32>,
    return
  }
}

module attributes {stable_mosaic.version = 14 : i64} {
  func.func @_final_body(%arg0: memref<2x1040x1056xf32, #tpu.memory_space<vmem>>, %arg1: memref<1x1040xf32, #tpu.memory_space<vmem>>, %arg2: memref<1040x1xf32, #tpu.memory_space<vmem>>, %arg3: memref<1040x1xf32, #tpu.memory_space<vmem>>, %arg4: memref<1040x80xf32, #tpu.memory_space<vmem>>, %arg5: memref<1x64xf32, #tpu.memory_space<vmem>>, %arg6: memref<64x1xf32, #tpu.memory_space<vmem>>, %arg7: memref<1x1xf32, #tpu.memory_space<vmem>>, %arg8: memref<1026x1xf32, #tpu.memory_space<vmem>>) attributes {dimension_semantics = [], scalar_prefetch = 0 : i64, scratch_operands = 0 : i64, tpu.core_type = #tpu.core_type<tc>} {
    %get3A = arith.constant 0 : index
    %get3A_0 = arith.constant 0 : index
    %get3A_1 = arith.constant 0 : index
    %get3A_2 = vector.load %arg0[%get3A, %get3A_0, %get3A_1] : memref<2x1040x1056xf32, #tpu.memory_space<vmem>>, vector<1x1026x1026xf32>
    %get3A_3 = vector.shape_cast %get3A_2 : vector<1x1026x1026xf32> to vector<1026x1026xf32>
    %get3A_4 = arith.constant 1 : index
    %get3A_5 = arith.constant 0 : index
    %get3A_6 = arith.constant 0 : index
    %get3A_7 = vector.load %arg0[%get3A_4, %get3A_5, %get3A_6] : memref<2x1040x1056xf32, #tpu.memory_space<vmem>>, vector<1x1026x1026xf32>
    %get3A_8 = vector.shape_cast %get3A_7 : vector<1x1026x1026xf32> to vector<1026x1026xf32>
    %add3A = arith.addf %get3A_3, %get3A_8 : vector<1026x1026xf32>
    %get3A_9 = arith.constant 0 : index
    %get3A_10 = arith.constant 0 : index
    %get3A_11 = vector.load %arg1[%get3A_9, %get3A_10] : memref<1x1040xf32, #tpu.memory_space<vmem>>, vector<1x1026xf32>
    %get3A_12 = arith.constant 0 : index
    %get3A_13 = arith.constant 0 : index
    %get3A_14 = vector.load %arg2[%get3A_12, %get3A_13] : memref<1040x1xf32, #tpu.memory_space<vmem>>, vector<1026x1xf32>
    %add3A_15 = vector.broadcast %get3A_11 : vector<1x1026xf32> to vector<1026x1026xf32>
    %add3A_16 = vector.broadcast %get3A_14 : vector<1026x1xf32> to vector<1026x1026xf32>
    %add3A_17 = arith.addf %add3A_15, %add3A_16 : vector<1026x1026xf32>
    %ge3A = arith.constant 0.000000e+00 : f32
    %ge3A_18 = vector.broadcast %ge3A : f32 to vector<1026x1026xf32>
    %ge3A_19 = arith.cmpf oge, %add3A_17, %ge3A_18 : vector<1026x1026xf32>
    %mul3A = arith.constant 2.000000e-01 : f32
    %mul3A_20 = vector.broadcast %mul3A : f32 to vector<1026x1026xf32>
    %mul3A_21 = arith.mulf %mul3A_20, %add3A_17 : vector<1026x1026xf32>
    %select_n3A = arith.select %ge3A_19, %add3A_17, %mul3A_21 : vector<1026x1026xi1>, vector<1026x1026xf32>
    %get3A_22 = arith.constant 0 : index
    %get3A_23 = arith.constant 0 : index
    %get3A_24 = vector.load %arg3[%get3A_22, %get3A_23] : memref<1040x1xf32, #tpu.memory_space<vmem>>, vector<1026x1xf32>
    %sub3A = vector.broadcast %get3A_24 : vector<1026x1xf32> to vector<1026x1026xf32>
    %sub3A_25 = arith.subf %select_n3A, %sub3A : vector<1026x1026xf32>
    %exp3A = math.exp %sub3A_25 : vector<1026x1026xf32>
    %mul3A_26 = arith.mulf %add3A, %exp3A : vector<1026x1026xf32>
    %get3A_27 = arith.constant 0 : index
    %get3A_28 = arith.constant 0 : index
    %get3A_29 = vector.load %arg4[%get3A_27, %get3A_28] : memref<1040x80xf32, #tpu.memory_space<vmem>>, vector<1026x80xf32>
    %dot_general3A = arith.constant dense<0.000000e+00> : vector<1026x80xf32>
    %dot_general3A_30 = tpu.matmul %mul3A_26, %get3A_29, %dot_general3A {dimension_numbers = #tpu.dot_dimension_numbers<[1], [0], [0], [1], [0, 0, 1, 1], [], []>, precision = #tpu.contract_precision<fp32>, transpose_lhs_hint = false} : vector<1026x1026xf32>, vector<1026x80xf32>, vector<1026x80xf32> -> vector<1026x80xf32>
    %slice3A = vector.extract_strided_slice %dot_general3A_30 {offsets = [0, 0], sizes = [1026, 64], strides = [1, 1]} : vector<1026x80xf32> to vector<1026x64xf32>
    %slice3A_31 = vector.extract_strided_slice %dot_general3A_30 {offsets = [0, 64], sizes = [1026, 1], strides = [1, 1]} : vector<1026x80xf32> to vector<1026x1xf32>
    %add3A_32 = arith.constant 1.000000e-16 : f32
    %add3A_33 = vector.broadcast %add3A_32 : f32 to vector<1026x1xf32>
    %add3A_34 = arith.addf %slice3A_31, %add3A_33 : vector<1026x1xf32>
    %div3A = vector.broadcast %add3A_34 : vector<1026x1xf32> to vector<1026x64xf32>
    %div3A_35 = arith.divf %slice3A, %div3A : vector<1026x64xf32>
    %get3A_36 = arith.constant 0 : index
    %get3A_37 = arith.constant 0 : index
    %get3A_38 = vector.load %arg5[%get3A_36, %get3A_37] : memref<1x64xf32, #tpu.memory_space<vmem>>, vector<1x64xf32>
    %add3A_39 = vector.broadcast %get3A_38 : vector<1x64xf32> to vector<1026x64xf32>
    %add3A_40 = arith.addf %div3A_35, %add3A_39 : vector<1026x64xf32>
    %get3A_41 = arith.constant 0 : index
    %get3A_42 = arith.constant 0 : index
    %get3A_43 = vector.load %arg6[%get3A_41, %get3A_42] : memref<64x1xf32, #tpu.memory_space<vmem>>, vector<64x1xf32>
    %dot_general3A_44 = arith.constant dense<0.000000e+00> : vector<1026x1xf32>
    %dot_general3A_45 = tpu.matmul %add3A_40, %get3A_43, %dot_general3A_44 {dimension_numbers = #tpu.dot_dimension_numbers<[1], [0], [0], [1], [0, 0, 1, 1], [], []>, transpose_lhs_hint = false} : vector<1026x64xf32>, vector<64x1xf32>, vector<1026x1xf32> -> vector<1026x1xf32>
    %get3A_46 = arith.constant 0 : index
    %get3A_47 = arith.constant 0 : index
    %get3A_48 = vector.load %arg7[%get3A_46, %get3A_47] : memref<1x1xf32, #tpu.memory_space<vmem>>, vector<1x1xf32>
    %add3A_49 = vector.broadcast %get3A_48 : vector<1x1xf32> to vector<1026x1xf32>
    %add3A_50 = arith.addf %dot_general3A_45, %add3A_49 : vector<1026x1xf32>
    %ge3A_51 = arith.constant 0.000000e+00 : f32
    %ge3A_52 = vector.broadcast %ge3A_51 : f32 to vector<1026x1xf32>
    %ge3A_53 = arith.cmpf oge, %add3A_50, %ge3A_52 : vector<1026x1xf32>
    %mul3A_54 = arith.constant 0.00999999977 : f32
    %mul3A_55 = vector.broadcast %mul3A_54 : f32 to vector<1026x1xf32>
    %mul3A_56 = arith.mulf %mul3A_55, %add3A_50 : vector<1026x1xf32>
    %select_n3A_57 = arith.select %ge3A_53, %add3A_50, %mul3A_56 : vector<1026x1xi1>, vector<1026x1xf32>
    %swap3A = arith.constant 0 : index
    %swap3A_58 = arith.constant 0 : index
    %swap3A_59 = vector.load %arg8[%swap3A, %swap3A_58] : memref<1026x1xf32, #tpu.memory_space<vmem>>, vector<1026x1xf32>
    tpu.vector_store %arg8[%swap3A, %swap3A_58], %select_n3A_57 {strides = array<i32>} : memref<1026x1xf32, #tpu.memory_space<vmem>>, vector<1026x1xf32>,
    return
  }
}

</mosaic_0001>

<sc_bundles>
// kernel: kernel.5.cloned.1.call-start
scs
__scs_entry_jumppad:
0x0: {  	(pc) =	sbr.rel $0x88, $3  }
0x1: {  	(tag) =	ssettag $0x0;
	lr =	simm.s32 $0x1  }
0x2: {  	[smem:$0x3F93] =	sst lr;
	_ =	strace $0xD0000000  }
0x3: {  	_ = 	snop  }
0x4: {  	_ = 	snop  }
0x5: {  	_ = 	snop  }
0x6: {  	_ = 	snop  }
0x7: {  	_ = 	snop  }
__scs_overlays_trampoline_lowered:
0x8: {  	[smem:$0x3FA2] =	sst s0  }
0x9: {  	[smem:$0x3FA3] =	sst s1  }
0xa: {  	[smem:$0x3FA4] =	sst s2  }
0xb: {  	[smem:$0x3FA5] =	sst s3  }
0xc: {  	[smem:$0x3FA6] =	sst s4  }
0xd: {  	[smem:$0x3FA7] =	sst s5  }
0xe: {  	[smem:$0x3FA8] =	sst s6  }
0xf: {  	[smem:$0x3FA9] =	sst s7  }
0x10: {  	[smem:$0x3FAA] =	sst s8  }
0x11: {  	[smem:$0x3FAB] =	sst s9;
	s0 =	simm.s32 @!p0 $0x0  }
0x12: {  	s1 =	sld [smem:$0x3F91];
	s0 =	simm.s32 @p0 $0x1  }
0x13: {  	[smem:$0x3FAC] =	sst s0;
	s0 =	simm.s32 @!p1 $0x0  }
0x14: {  	s2 =	sld [smem:$0x3F90];
	s0 =	simm.s32 @p1 $0x1  }
0x15: {  	[smem:$0x3FAD] =	sst s0;
	s0 =	simm.s32 @!p2 $0x0  }
0x16: {  	s3 =	sld [smem:$0x3FDB];
	s0 =	simm.s32 @p2 $0x1  }
0x17: {  	s4 =	simm.s32 $0x1BF5;
	[smem:$0x3FAF] =	sst s0  }
0x18: {  	s0 =	sld [smem:$0x3F92];
	_ =	swait.ge [sflag:s4], $0x0  }
0x19: {  	s7 =	sld [smem:$0x3F93]  }
0x1a: {  	s8 =	sadd.s32 $0xFFFFE003, lr  }
0x1b: {  	s9 =	sadd.s32 $0xFFFFFEF7, lr;
	s5 =	simm.s32 $0xFFFFFFFF;
	p2 =	slt.u32 s8, $0xFFFFF086  }
0x1c: {  	p1 =	slt.u32 s9, $0xF7A;
	s5 =	simm.s32 @!p2 $0x0  }
0x1d: {  	s5 =	simm.s32 @p1 $0x1;
	p0 =	seq.s32 s7, s2  }
0x1e: {  	s7 =	smul.u32 @!p0 $0xF7A, s2;
	p2 =	seq.s32 @!p0 s5, $0x0  }
0x1f: {  	s9 =	smul.u32 $0xF7A, s1;
	s8 =	simm.s32 @!p0 $0x1BF5;
	p2 =	por !p2, p0  }
0x20: {  	[sflag:s8] =	ssyncset.s32 @!p0 $0xFFFFF086;
	s6 =	sadd.s32 @!p0 s3, s7;
	s7 =	simm.s32 @!p0 $0x108  }
0x21: {  	s3 =	sadd.s32 s3, s9;
	s6 =	sadd.s32 @!p0 $0x88, s6;
	s7 =	simm.s32 @p2 $0x1082  }
0x22: {  	[simem:s7], [sflag:s8] =	dma.local @!p0 [hbm:s6], $0xF7A  }
0x23: {  	s9 =	sor.u32 $0xD0000000, s2;
	s6 =	simm.s32 $0x108;
	_ =	swait.ge @!p0 [sflag:s8], $0x0  }
0x24: {  	s3 =	sadd.s32 $0x88, s3;
	s6 =	simm.s32 @!p1 $0x1082;
	[sflag:s4] =	ssyncset.s32 $0xFFFFF086  }
0x25: {  	[simem:s6], [sflag:s4] =	dma.local [hbm:s3], $0xF7A  }
0x26: {  	[smem:$0x3F93] =	sst s1;
	(tag) =	ssettag s2;
	_ =	strace s9  }
0x27: {  	s1 =	sld [smem:$0x3FA3]  }
0x28: {  	s2 =	sld [smem:$0x3FA4]  }
0x29: {  	s4 =	sld [smem:$0x3FA6]  }
0x2a: {  	p0 =	seq.s32 s5, $0x0;
	s5 =	sld [smem:$0x3FA7]  }
0x2b: {  	s6 =	sld [smem:$0x3FA8]  }
0x2c: {  	s7 =	sld [smem:$0x3FA9]  }
0x2d: {  	s3 =	simm.s32 $0x108;
	s8 =	sld [smem:$0x3FAA]  }
0x2e: {  	s3 =	simm.s32 @!p0 $0x1082;
	s9 =	sld [smem:$0x3FAB]  }
0x2f: {  	lr =	sadd.s32 s0, s3;
	s0 =	sld [smem:$0x3FA2]  }
0x30: {  	s3 =	sld [smem:$0x3FA5]  }
0x31: {  	[smem:$0x3FAE] =	sst s10  }
0x32: {  	s10 =	sld [smem:$0x3FAC];
	_ =	sdelay $0x3  }
0x33: {  	p0 =	seq.s32 s10, $0x1;
	s10 =	sld [smem:$0x3FAE];
	_ =	sdelay $0x3  }
0x34: {  	[smem:$0x3FAE] =	sst s10  }
0x35: {  	s10 =	sld [smem:$0x3FAD];
	_ =	sdelay $0x3  }
0x36: {  	p1 =	seq.s32 s10, $0x1;
	s10 =	sld [smem:$0x3FAE];
	_ =	sdelay $0x3  }
0x37: {  	[smem:$0x3FAE] =	sst s10  }
0x38: {  	s10 =	sld [smem:$0x3FAF]  }
0x39: {  	_ = 	snop;
	(pc) =	sbr.ind lr, $3  }
0x3a: {  	_ = 	snop  }
0x3b: {  	_ = 	snop  }
0x3c: {  	p2 =	seq.s32 s10, $0x1;
	s10 =	sld [smem:$0x3FAE]  }
0x3d: {  	_ =	shalt  }
0x3e: {  	_ =	shalt  }
0x3f: {  	_ =	shalt  }
0x40: {  	_ =	shalt  }
0x41: {  	_ =	shalt  }
0x42: {  	_ =	shalt  }
0x43: {  	_ =	shalt  }
0x44: {  	_ =	shalt  }
0x45: {  	_ =	shalt  }
0x46: {  	_ =	shalt  }
0x47: {  	_ =	shalt  }
0x48: {  	_ =	shalt  }
0x49: {  	_ =	shalt  }
0x4a: {  	_ =	shalt  }
0x4b: {  	_ =	shalt  }
0x4c: {  	_ =	shalt  }
0x4d: {  	_ =	shalt  }
0x4e: {  	_ =	shalt  }
0x4f: {  	_ =	shalt  }
0x50: {  	_ =	shalt  }
0x51: {  	_ =	shalt  }
0x52: {  	_ =	shalt  }
0x53: {  	_ =	shalt  }
0x54: {  	_ =	shalt  }
0x55: {  	_ =	shalt  }
0x56: {  	_ =	shalt  }
0x57: {  	_ =	shalt  }
0x58: {  	_ =	shalt  }
0x59: {  	_ =	shalt  }
0x5a: {  	_ =	shalt  }
0x5b: {  	_ =	shalt  }
0x5c: {  	_ =	shalt  }
0x5d: {  	_ =	shalt  }
0x5e: {  	_ =	shalt  }
0x5f: {  	_ =	shalt  }
0x60: {  	_ =	shalt  }
0x61: {  	_ =	shalt  }
0x62: {  	_ =	shalt  }
0x63: {  	_ =	shalt  }
0x64: {  	_ =	shalt  }
0x65: {  	_ =	shalt  }
0x66: {  	_ =	shalt  }
0x67: {  	_ =	shalt  }
0x68: {  	_ =	shalt  }
0x69: {  	_ =	shalt  }
0x6a: {  	_ =	shalt  }
0x6b: {  	_ =	shalt  }
0x6c: {  	_ =	shalt  }
0x6d: {  	_ =	shalt  }
0x6e: {  	_ =	shalt  }
0x6f: {  	_ =	shalt  }
0x70: {  	_ =	shalt  }
0x71: {  	_ =	shalt  }
0x72: {  	_ =	shalt  }
0x73: {  	_ =	shalt  }
0x74: {  	_ =	shalt  }
0x75: {  	_ =	shalt  }
0x76: {  	_ =	shalt  }
0x77: {  	_ =	shalt  }
0x78: {  	_ =	shalt  }
0x79: {  	_ =	shalt  }
0x7a: {  	_ =	shalt  }
0x7b: {  	_ =	shalt  }
0x7c: {  	_ =	shalt  }
0x7d: {  	_ =	shalt  }
0x7e: {  	_ =	shalt  }
0x7f: {  	_ =	shalt  }
0x80: {  	_ =	shalt  }
0x81: {  	_ =	shalt  }
0x82: {  	_ =	shalt  }
0x83: {  	_ =	shalt  }
0x84: {  	_ =	shalt  }
0x85: {  	_ =	shalt  }
0x86: {  	_ =	shalt  }
0x87: {  	_ =	shalt  }
.Lfunc_end0:
.L_simem_size_0:
called_computation_lowered:
.L_overlay_start_0:
0x88: {  	s2 =	sld [smem:$0x3FD9]  }
0x89: {  	s3 =	sld [smem:$0x3FFE];
	_ =	sdelay $0x1  }
0x8a: {  	s1 =	srdreg.scid  }
0x8b: {  	s0 =	sand.u32 $0x1, s1  }
0x8c: {  	s16 =	sshll.u32 s0, $0xA;
	s2 =	sadd.s32 s3, s2  }
0x8d: {  	s2 =	sadd.s32 s2, s16  }
0x8e: {  	[smem:$0x3FBA] =	sst s2  }
0x8f: {  	_ = 	snop  }
0x90: {  	(tm) =	ssettm $0x1  }
0x91: {  	s17 =	sld [smem:$0x3FFB];
	_ =	sdelay $0x3  }
0x92: {  	_ =	strace s17  }
0x93: {  	s2 =	sld [smem:$0x3FFC];
	_ =	sdelay $0x3  }
0x94: {  	_ =	strace s2  }
0x95: {  	s2 =	sld [smem:$0x3FFD];
	_ =	sdelay $0x3  }
0x96: {  	_ =	strace s2  }
0x97: {  	_ =	strace $0x8FFFFFFF  }
0x98: {  	s18 =	sld [smem:$0x3FDB];
	_ =	sdelay $0x1  }
0x99: {  	s19 =	simm.s32 $_scs_section_size  }
0x9a: {  	s4 =	simm.s32 $_size__tile_overlayer_lowered;
	s5 =	simm.s32 $_tile_overlayer_lowered  }
0x9b: {  	s22 =	simm.s32 $0x1BFF;
	s21 =	sshll.u32 s5, $0x1;
	s2 =	sadd.s32 s19, s18  }
0x9c: {  	s6 =	simm.s32 $0x0;
	s20 =	sshll.u32 s4, $0x1;
	s4 =	sadd.s32 s21, s2  }
0x9d: {  	[timem:s6], [sflag:s22] =	dma.local [hbm:s4], s20  }
0x9e: {  	_ =	swait.ge [sflag:s22], s20  }
0x9f: {  	s3 =	ssub.s32 $0x0, s20;
	[sflag:s22] =	ssyncset.done $0x0  }
0xa0: {  	[sflag:s22] =	ssyncadd.s32 s3;
	_ =	sdelay $0x1  }
0xa1: {  	s23 =	simm.s32 $0x1B8B  }
0xa2: {  	_ =	swait.ge [sflag:s23], $0x1  }
0xa3: {  	[sflag:s23] =	ssyncset.done $0x0  }
0xa4: {  	s25 =	simm.s32 $0x1B8E;
	s24 =	sld [smem:$0x3FFE];
	[sflag:s23] =	ssyncadd.s32 $0xFFFFFFFF  }
0xa5: {  	s26 =	simm.s32 $execute0_lowered;
	[smem:$0x3FD2] =	sst s25  }
0xa6: {  	s4 =	sshll.u32 s26, $0x1;
	_ =	strace $0x80000046;
	[dreg:$0x1] =	wrdreg $0xFFFFFFFF  }
0xa7: {  	s28 =	simm.s32 $_size_execute0_lowered;
	s2 =	sadd.s32 s2, s4;
	[dreg:$0x0] =	wrdreg $0x0  }
0xa8: {  	s4 =	sshll.u32 s28, $0x1;
	[dreg:$0x2] =	wrdreg s2  }
0xa9: {  	[dreg:$0x3] =	wrdreg s4  }
0xaa: {  	[dreg:$0x4] =	wrdreg $0xC0  }
0xab: {  	_ =	task [dreg:s6], $0x5FFFF  }
0xac: {  	[dreg:$0x1] =	wrdreg $0xFFFFFFFF  }
0xad: {  	[dreg:$0x0] =	wrdreg $0x60  }
0xae: {  	[dreg:$0x2] =	wrdreg s24  }
0xaf: {  	[dreg:$0x3] =	wrdreg $0x12000  }
0xb0: {  	[dreg:$0x4] =	wrdreg $0x9  }
0xb1: {  	_ =	task.clear_ibuf [dreg:s6], $0x5FFFF;
	_ =	strace $0x90000046  }
0xb2: {  	s29 =	simm.s32 $0x9;
	_ =	strace $0x80000048  }
0xb3: {  	_ =	swait.ge [sflag:s29], $0x1  }
0xb4: {  	[sflag:s29] =	ssyncadd.s32 $0xFFFFFFFF  }
0xb5: {  	_ =	strace $0x90000048  }
0xb6: {  	_ =	sfence  }
0xb7: {  	s30 =	sld [smem:$0x0];
	_ =	sdelay $0x2  }
0xb8: {  	s31 =	sshll.u32 s1, $0xD;
	s1 =	sshrl.u32 s1, $0x2  }
0xb9: {  	s3 =	sand.u32 $0x4000, s31;
	s1 =	sadd.s32 s1, s30  }
0xba: {  	s0 =	sor.u32 s3, s0;
	s1 =	sshll.u32 s1, $0x11  }
0xbb: {  	s0 =	sor.u32 s1, s0  }
0xbc: {  	s0 =	sadd.s32 $0x8F2B, s0  }
0xbd: {  	[sflag:s0] =	ssyncadd.remote.s32 $0x1  }
0xbe: {  	_ =	sfence.sel $0xFFFF  }
0xbf: {  	[dreg:$0x0] =	wrdreg $0xFFFFFFFF;
	(pc) =	sbr.abs _section_cstart, $3  }
0xc0: {  	[dreg:$0x1] =	wrdreg $0xFFFFFFFF  }
0xc1: {  	_ =	task.clear_ibuf [dreg:s6], $0x2FFFF;
	_ =	strace $0x9FFFFFFF  }
0xc2: {  	(tm) =	ssettm $0x7FFFFFFF  }
0xc3: {  	_ =	shalt  }
tec
execute0_lowered:
.L_overlay_start_1:
0x0: {  	(tag) =	ssettag $0x1  }
0x1: {  	s0 =	srdreg.scid;
	s5 =	rddreg [dreg:$0x0]  }
0x2: {  	s12 =	stileid.u32;
	s2 =	rddreg [dreg:$0x1]  }
0x3: {  	s3 =	simm.s32 $0x0;
	s13 =	simm.s32 $0xD80;
	s16 =	simm.s32 $0x80  }
0x4: {  	s23 =	simm.s32 $0xF00;
	s28 =	simm.s32 $0x1000;
	s29 =	simm.s32 $0xC00  }
0x5: {  	s30 =	simm.s32 $0x1080;
	s31 =	simm.s32 $0xC80;
	s17 =	simm.s32 $0x1  }
0x6: {  	s18 =	simm.s32 $0x0;
	s0 =	sand.u32 $0x1, s0;
	s7 =	smul.u32 $0x10C20, s12  }
0x7: {  	[smem:$0x7FF] =	sst s3;
	s4 =	sadd.s32 $0x3400, s5;
	s11 =	smul.u32 $0x480, s12  }
0x8: {  	s26 =	sshll.u32 s12, $0x6;
	s1 =	sshll.u32 s0, $0x4;
	s6 =	smul.u32 $0x10C200, s0  }
0x9: {  	_ =	strace $0x80000047;
	s9 =	ssub.s32 $0x2, s0;
	s0 =	smul.u32 $0x4800, s0  }
0xa: {  	s14 =	sor.u32 $0x1C02, s26;
	s26 =	simm.s32 $0xB80;
	s1 =	sor.u32 s12, s1  }
0xb: {  	s8 =	sshrl.u32 s7, $0x3;
	s24 =	sshrl.u32 s9, $0x1;
	s25 =	sadd.s32 s7, s2  }
0xc: {  	s12 =	simm.s32 $0x1180;
	s1 =	smul.u32 $0x480, s1;
	s6 =	sadd.s32 s7, s6  }
0xd: {  	s8 =	sadd.s32 s8, s5;
	s9 =	ssub.s32 s9, s24;
	s20 =	sadd.s32 s11, s0  }
0xe: {  	s11 =	simm.s32 $0x2;
	s15 =	sshrl.u32 s25, $0x3;
	s24 =	simm.s32 $0xB00  }
0xf: {  	v0 =	vlaneseq.u32;
	s25 =	simm.s32 $0xF80;
	s0 =	simm.s32 $0xD00;
	s6 =	sshrl.u32 s6, $0x3  }
0x10: {  	v0 =	vmul.u32 $0xFFFFFFFF, v0;
	s7 =	sadd.s32 $0x3600, s8;
	s1 =	sshrl.u32 s1, $0x3;
	s10 =	sadd.s32 s6, s5  }
0x11: {  	s9 =	smax.u32 s9, $0x1;
	s1 =	sadd.s32 s1, s5;
	s8 =	sadd.s32 $0x25000, s10  }
0x12: {  	v0 =	vadd.s32 $0x8442, v0;
	s5 =	sadd.s32 $0x2200, s1;
	s6 =	sadd.s32 $0x1000, s1;
	s1 =	simm.s32 $0x1100  }
.LBB2_1:
0x13: {  	[tilespmem:s3], [sflag:$0x2] =	stream.linear.gather [hbm4b:s5+s3], $0x480, $0x38;
	[tilespmem:$0x11E20] =	vst v63  }
0x14: {  	_ =	swait.ge [sflag:s11], $0x480  }
0x15: {  	[sflag:s11] =	ssyncset.done $0x0  }
0x16: {  	s10 =	simm.s32 $0x480;
	[sflag:s11] =	ssyncadd.s32 $0xFFFFFB80  }
0x17: {  	[tilespmem:s10], [sflag:$0x2] =	stream.linear.gather [hbm4b:s6+s3], $0x480, $0x38;
	[tilespmem:$0x11E20] =	vst v63  }
0x18: {  	_ =	swait.ge [sflag:s11], $0x480  }
0x19: {  	[sflag:s11] =	ssyncset.done $0x0  }
0x1a: {  	[sflag:s11] =	ssyncadd.s32 $0xFFFFFB80  }
0x1b: {  	[tilespmem:s13], [sflag:$0x2] =	stream.linear.gather [hbm4b:s4+s3], $0x480, $0x38;
	[tilespmem:$0x11E20] =	vst v63  }
0x1c: {  	_ =	swait.ge [sflag:s11], $0x480  }
0x1d: {  	[sflag:s11] =	ssyncset.done $0x0  }
0x1e: {  	[sflag:s11] =	ssyncadd.s32 $0xFFFFFB80  }
0x1f: {  	[spmem:s15], [sflag:s14] =	dma.local [hbm:s7], $0x2184  }
0x20: {  	_ =	swait.ge [sflag:s11], $0x2184  }
0x21: {  	[sflag:s11] =	ssyncset.done $0x0  }
0x22: {  	s19 =	simm.s32 $0x0;
	[sflag:s11] =	ssyncadd.s32 $0xFFFFDE7C  }
0x23: {  	v2 =	vld [tilespmem:s19+$0x480];
	_ =	sdelay $0x1  }
0x24: {  	v1 =	vld [tilespmem:s19+$0x0];
	_ =	sdelay $0x1  }
0x25: {  	s21 =	simm.s32 $0x40;
	s10 =	smov.u32 s20  }
.LBB2_2:
0x26: {  	s22 =	sshra.s32 s21, $0x2;
	p0 =	sne.s32 s21, $0x11C0;
	s21 =	sadd.s32 $0x40, s21;
	v3 =	vmul.u32 $0x420, v2  }
.Ltmp0:
0x27: {  	v4 =	vmov s10;
	v2 =	vld [tilespmem:s22+$0x480];
	(pc) =	sbr.rel @p0 .LBB2_2-.Ltmp0, $4  }
0x28: {  	vm0 =	vlt.u32 v4, v0;
	v3 =	vadd.s32 v1, v3  }
0x29: {  	v1 =	vld [tilespmem:s22+$0x0];
	v3 =	vnsel vm0, $0x108840, v3  }
0x2a: {  	[tilespmem:s19+$0x900] =	vst v3;
	s19 =	smov.u32 s22  }
0x2b: {  	s10 =	sadd.s32 $0x10, s10  }
0x2c: {  	v2 =	vmul.u32 $0x420, v2  }
0x2d: {  	v3 =	vmov s10  }
0x2e: {  	vm0 =	vlt.u32 v3, v0;
	v1 =	vadd.s32 v1, v2  }
0x2f: {  	v1 =	vnsel vm0, $0x108840, v1  }
0x30: {  	[tilespmem:s19+$0x900] =	vst v1  }
0x31: {  	s19 =	simm.s32 $0x900;
	[bflag:$0x0] =	sbarrier.arrive $0xFFFF  }
0x32: {  	[spmem:s2] =	stream.indirect.scatter.add.f32 [tilespmem:s13], [sflag:$0x1], $0x1, s19, s16, $0xb8;
	[tilespmem:$0x11E20] =	vst v63  }
0x33: {  	s21 =	simm.s32 $0x980;
	s22 =	simm.s32 $0xE00  }
0x34: {  	[spmem:s2] =	stream.indirect.scatter.add.f32 [tilespmem:s22], [sflag:$0x1], $0x1, s21, s16, $0xb8;
	[tilespmem:$0x11E20] =	vst v63  }
0x35: {  	s19 =	simm.s32 $0xA00;
	s21 =	simm.s32 $0xE80  }
0x36: {  	[spmem:s2] =	stream.indirect.scatter.add.f32 [tilespmem:s21], [sflag:$0x1], $0x1, s19, s16, $0xb8;
	[tilespmem:$0x11E20] =	vst v63  }
0x37: {  	s22 =	simm.s32 $0xA80  }
0x38: {  	[spmem:s2] =	stream.indirect.scatter.add.f32 [tilespmem:s23], [sflag:$0x1], $0x1, s22, s16, $0xb8;
	[tilespmem:$0x11E20] =	vst v63  }
0x39: {  	_ = 	snop  }
0x3a: {  	[spmem:s2] =	stream.indirect.scatter.add.f32 [tilespmem:s25], [sflag:$0x1], $0x1, s24, s16, $0xb8;
	[tilespmem:$0x11E20] =	vst v63  }
0x3b: {  	_ = 	snop  }
0x3c: {  	[spmem:s2] =	stream.indirect.scatter.add.f32 [tilespmem:s28], [sflag:$0x1], $0x1, s26, s16, $0xb8;
	[tilespmem:$0x11E20] =	vst v63  }
0x3d: {  	_ = 	snop  }
0x3e: {  	[spmem:s2] =	stream.indirect.scatter.add.f32 [tilespmem:s30], [sflag:$0x1], $0x1, s29, s16, $0xb8;
	[tilespmem:$0x11E20] =	vst v63  }
0x3f: {  	_ = 	snop  }
0x40: {  	[spmem:s2] =	stream.indirect.scatter.add.f32 [tilespmem:s1], [sflag:$0x1], $0x1, s31, s16, $0xb8;
	[tilespmem:$0x11E20] =	vst v63  }
0x41: {  	_ = 	snop  }
0x42: {  	[spmem:s2] =	stream.indirect.scatter.add.f32 [tilespmem:s12], [sflag:$0x1], $0x1, s0, s16, $0xb8;
	[tilespmem:$0x11E20] =	vst v63  }
0x43: {  	_ =	swait.ge [sflag:s17], $0x80  }
0x44: {  	[sflag:s17] =	ssyncset.done $0x0  }
0x45: {  	[sflag:s17] =	ssyncadd.s32 $0xFFFFFF80  }
0x46: {  	_ =	swait.ge [sflag:s17], $0x80  }
0x47: {  	[sflag:s17] =	ssyncset.done $0x0  }
0x48: {  	[sflag:s17] =	ssyncadd.s32 $0xFFFFFF80  }
0x49: {  	_ =	swait.ge [sflag:s17], $0x80  }
0x4a: {  	[sflag:s17] =	ssyncset.done $0x0  }
0x4b: {  	[sflag:s17] =	ssyncadd.s32 $0xFFFFFF80  }
0x4c: {  	_ =	swait.ge [sflag:s17], $0x80  }
0x4d: {  	[sflag:s17] =	ssyncset.done $0x0  }
0x4e: {  	[sflag:s17] =	ssyncadd.s32 $0xFFFFFF80  }
0x4f: {  	_ =	swait.ge [sflag:s17], $0x80  }
0x50: {  	[sflag:s17] =	ssyncset.done $0x0  }
0x51: {  	[sflag:s17] =	ssyncadd.s32 $0xFFFFFF80  }
0x52: {  	_ =	swait.ge [sflag:s17], $0x80  }
0x53: {  	[sflag:s17] =	ssyncset.done $0x0  }
0x54: {  	[sflag:s17] =	ssyncadd.s32 $0xFFFFFF80  }
0x55: {  	_ =	swait.ge [sflag:s17], $0x80  }
0x56: {  	[sflag:s17] =	ssyncset.done $0x0  }
0x57: {  	[sflag:s17] =	ssyncadd.s32 $0xFFFFFF80  }
0x58: {  	_ =	swait.ge [sflag:s17], $0x80  }
0x59: {  	[sflag:s17] =	ssyncset.done $0x0  }
0x5a: {  	[sflag:s17] =	ssyncadd.s32 $0xFFFFFF80  }
0x5b: {  	_ =	swait.ge [sflag:s17], $0x80  }
0x5c: {  	s18 =	sadd.s32 $0x1, s18;
	[sflag:s17] =	ssyncset.done $0x0  }
0x5d: {  	p0 =	sne.s32 s18, s9;
	[sflag:s17] =	ssyncadd.s32 $0xFFFFFF80  }
.Ltmp1:
0x5e: {  	[bflag:$0x0] =	sbarrier.arrive $0xFFFF;
	(pc) =	sbr.rel @p0 .LBB2_1-.Ltmp1, $4  }
0x5f: {  	[hbm:s8], [sflag:s14] =	dma.local [spmem:s15], $0x2184  }
0x60: {  	_ =	swait.ge [sflag:s11], $0x2184  }
0x61: {  	[sflag:s11] =	ssyncset.done $0x0  }
0x62: {  	[sflag:s11] =	ssyncadd.s32 $0xFFFFDE7C  }
0x63: {  	_ =	sfence.sel $0x180000  }
0x64: {  	[bflag:$0x0] =	sbarrier.arrive $0xFFFF  }
0x65: {  	_ =	strace $0x90000047  }
0x66: {  	s0 =	stileid.u32;
	[bflag:$0x2] =	sbarrier.arrive $0xFFFF  }
0x67: {  	p0 =	sne.s32 s0, $0x0;
	s0 =	rddreg [dreg:$0x2]  }
0x68: {  	s0 =	sadd.s32 @!p0 $0x100000, s0  }
0x69: {  	[sflag:s0] =	ssyncadd.tile.s32 @!p0 $0x1;
	_ =	shalt  }
.Lfunc_end2:
_tile_overlayer_lowered:
.L_overlay_start_2:
0x6a: {  	(tag) =	ssettag $0x2  }
0x6b: {  	s0 =	rddreg [dreg:$0x0];
	s2 =	stileid.u32  }
0x6c: {  	s1 =	rddreg [dreg:$0x1];
	p0 =	sne.s32 s2, $0x0  }
0x6d: {  	s3 =	rddreg [dreg:$0x2];
	[bflag:$0x3] =	sbarrier.arrive $0xFFFF;
	s2 =	simm.s32 @!p0 $0x1C02  }
0x6e: {  	[timem:s3], [sflag:s2] =	dma.local @!p0 [hbm:s0], s1  }
0x6f: {  	s0 =	simm.s32 @!p0 $0x2  }
0x70: {  	_ =	swait.ge @!p0 [sflag:s0], s1  }
0x71: {  	s1 =	ssub.s32 @!p0 $0x0, s1;
	[sflag:s0] =	ssyncset.done @!p0 $0x0  }
0x72: {  	[sflag:s0] =	ssyncadd.s32 @!p0 s1  }
0x73: {  	[bflag:$0x3] =	sbarrier.arrive $0xFFFF  }
0x74: {  	_ =	shalt  }

</sc_bundles>
